<compile_context>
chip_gen: v7x
topology: tpu7x:2x2x1
jax: 0.10.2.dev20260603
libtpu: 0.0.44.dev20260713+nightly
codegen_flags: <defaults>
</compile_context>

<pallas_src>
import functools

import jax
import jax.numpy as jnp
from jax import lax
from jax.experimental import pallas as pl
from jax.experimental.pallas import tpu as pltpu
from jax.experimental.pallas import tpu_sc as plsc

NC = 2
NS = 16
NW = NC * NS
C = 128


def _ceil_to(x, m):
    return (x + m - 1) // m * m


@functools.lru_cache(maxsize=None)
def _make_stage1(N, D, NP, EPW, EPT):
    nchunks = EPW // C
    hchunks = EPT // C
    RPT = NP // NS
    NZ = RPT // C
    mesh = plsc.VectorSubcoreMesh(core_axis_name="c", subcore_axis_name="s")

    @functools.partial(
        pl.kernel,
        out_type=[
            jax.ShapeDtypeStruct((NC * NP, D), jnp.float32),
            jax.ShapeDtypeStruct((NC * NP,), jnp.float32),
        ],
        mesh=mesh,
        scratch_types=[
            pltpu.VMEM((C,), jnp.int32),
            pltpu.VMEM((C,), jnp.int32),
            pltpu.VMEM((C, D), jnp.float32),
            pltpu.VMEM((C,), jnp.float32),
            pltpu.VMEM((RPT,), jnp.float32),
            pltpu.VMEM_SHARED((NP, D), jnp.float32),
            pltpu.VMEM_SHARED((NP,), jnp.float32),
            pltpu.SemaphoreType.DMA,
            pltpu.SemaphoreType.DMA,
        ],
    )
    def stage1(x_hbm, srcg_hbm, dsts_hbm, histidx_hbm,
               agg_out, hist_out,
               idx_g, idx_d, rows, ones1, hbounce,
               agg_sh, hist_sh, sem, isem):
        cid = lax.axis_index("c")
        sid = lax.axis_index("s")
        wid = sid * NC + cid
        zero16 = jnp.zeros((16,), jnp.float32)
        one16 = jnp.ones((16,), jnp.float32)

        def _zrow(r, _):
            for k in range(D // 16):
                rows[r, pl.ds(k * 16, 16)] = zero16
            return 0

        lax.fori_loop(0, C, _zrow, 0)
        for k in range(C // 16):
            ones1[pl.ds(k * 16, 16)] = one16

        def _zh(r, _):
            hbounce[pl.ds(r * 16, 16)] = zero16
            return 0

        lax.fori_loop(0, RPT // 16, _zh, 0)

        r0 = sid * RPT
        for t in range(NZ):
            pltpu.sync_copy(rows, agg_sh.at[pl.ds(r0 + t * C, C)])
        pltpu.sync_copy(hbounce, hist_sh.at[pl.ds(r0, RPT)])
        plsc.subcore_barrier()

        def _chunk(j, _):
            base = wid * EPW + j * C
            ca = pltpu.async_copy(srcg_hbm.at[pl.ds(base, C)], idx_g, isem)
            cb = pltpu.async_copy(dsts_hbm.at[pl.ds(base, C)], idx_d, isem)
            ca.wait()
            cb.wait()
            pltpu.async_copy(x_hbm.at[idx_g], rows, sem).wait()
            pltpu.sync_copy(rows, agg_sh.at[idx_d], add=True)
            return 0

        lax.fori_loop(0, nchunks, _chunk, 0)

        def _hchunk(j, _):
            base = cid * (EPT * NS) + sid * EPT + j * C
            pltpu.sync_copy(histidx_hbm.at[pl.ds(base, C)], idx_d)
            pltpu.sync_copy(ones1, hist_sh.at[idx_d], add=True)
            return 0

        lax.fori_loop(0, hchunks, _hchunk, 0)
        plsc.subcore_barrier()

        for t in range(NZ):
            pltpu.sync_copy(agg_sh.at[pl.ds(r0 + t * C, C)], rows)
            pltpu.sync_copy(rows, agg_out.at[pl.ds(cid * NP + r0 + t * C, C)])
        pltpu.sync_copy(hist_sh.at[pl.ds(r0, RPT)], hbounce)
        pltpu.sync_copy(hbounce, hist_out.at[pl.ds(cid * NP + r0, RPT)])

    return stage1


@functools.lru_cache(maxsize=None)
def _make_stage2(N, D, NP, EPW):
    nchunks = EPW // C
    RPT = NP // NS
    NZ = RPT // C
    mesh = plsc.VectorSubcoreMesh(core_axis_name="c", subcore_axis_name="s")

    @functools.partial(
        pl.kernel,
        out_type=jax.ShapeDtypeStruct((NC * NP, D), jnp.float32),
        mesh=mesh,
        scratch_types=[
            pltpu.VMEM((C,), jnp.int32),
            pltpu.VMEM((C,), jnp.int32),
            pltpu.VMEM((C,), jnp.int32),
            pltpu.VMEM((C, D), jnp.float32),
            pltpu.VMEM((C, D), jnp.float32),
            pltpu.VMEM_SHARED((NP, D), jnp.float32),
            pltpu.SemaphoreType.DMA,
            pltpu.SemaphoreType.DMA,
        ],
    )
    def stage2(h_hbm, srcg_hbm, dstg_hbm, srcs_hbm,
               s_out,
               idx_a, idx_b, idx_s, rows_a, rows_b,
               s_sh, sem_a, sem_b):
        cid = lax.axis_index("c")
        sid = lax.axis_index("s")
        wid = sid * NC + cid
        zero16 = jnp.zeros((16,), jnp.float32)

        def _zrow(r, _):
            for k in range(D // 16):
                rows_a[r, pl.ds(k * 16, 16)] = zero16
            return 0

        lax.fori_loop(0, C, _zrow, 0)
        r0 = sid * RPT
        for t in range(NZ):
            pltpu.sync_copy(rows_a, s_sh.at[pl.ds(r0 + t * C, C)])
        plsc.subcore_barrier()

        def _chunk(j, _):
            base = wid * EPW + j * C
            c1 = pltpu.async_copy(srcg_hbm.at[pl.ds(base, C)], idx_a, sem_a)
            c2 = pltpu.async_copy(dstg_hbm.at[pl.ds(base, C)], idx_b, sem_b)
            c3 = pltpu.async_copy(srcs_hbm.at[pl.ds(base, C)], idx_s, sem_a)
            c1.wait()
            c2.wait()
            c3.wait()
            ca = pltpu.async_copy(h_hbm.at[idx_a], rows_a, sem_a)
            cb = pltpu.async_copy(h_hbm.at[idx_b], rows_b, sem_b)
            ca.wait()
            cb.wait()

            def _erow(r, _):
                for k in range(D // 16):
                    a = rows_a[r, pl.ds(k * 16, 16)]
                    bb = rows_b[r, pl.ds(k * 16, 16)]
                    d = a - bb
                    rows_a[r, pl.ds(k * 16, 16)] = d * d
                return 0

            lax.fori_loop(0, C, _erow, 0)
            pltpu.sync_copy(rows_a, s_sh.at[idx_s], add=True)
            return 0

        lax.fori_loop(0, nchunks, _chunk, 0)
        plsc.subcore_barrier()
        for t in range(NZ):
            pltpu.sync_copy(s_sh.at[pl.ds(r0 + t * C, C)], rows_a)
            pltpu.sync_copy(rows_a, s_out.at[pl.ds(cid * NP + r0 + t * C, C)])

    return stage2


@functools.lru_cache(maxsize=None)
def _make_conv(N, D, BN):
    def body(x_ref, agg_ref, deg_ref, ws_ref, wn_ref, b_ref, h_ref):
        deg = jnp.maximum(deg_ref[...], 1.0)
        mean = (agg_ref[0] + agg_ref[1]) / deg
        h = jnp.dot(x_ref[...], ws_ref[...], preferred_element_type=jnp.float32)
        h = h + jnp.dot(mean, wn_ref[...], preferred_element_type=jnp.float32)
        h = h + b_ref[...]
        h_ref[...] = jnp.maximum(h, 0.0)

    return pl.pallas_call(
        body,
        grid=(N // BN,),
        in_specs=[
            pl.BlockSpec((BN, D), lambda i: (i, 0)),
            pl.BlockSpec((NC, BN, D), lambda i: (0, i, 0)),
            pl.BlockSpec((BN, 1), lambda i: (i, 0)),
            pl.BlockSpec((D, D), lambda i: (0, 0)),
            pl.BlockSpec((D, D), lambda i: (0, 0)),
            pl.BlockSpec((1, D), lambda i: (0, 0)),
        ],
        out_specs=pl.BlockSpec((BN, D), lambda i: (i, 0)),
        out_shape=jax.ShapeDtypeStruct((N, D), jnp.float32),
    )


@functools.lru_cache(maxsize=None)
def _make_final(N, D, BN):
    def body(s_ref, cnt_ref, gg_ref):
        cnt = jnp.maximum(cnt_ref[...], 1.0)
        gg_ref[...] = jnp.tanh((s_ref[0] + s_ref[1]) / cnt)

    return pl.pallas_call(
        body,
        grid=(N // BN,),
        in_specs=[
            pl.BlockSpec((NC, BN, D), lambda i: (0, i, 0)),
            pl.BlockSpec((BN, 1), lambda i: (i, 0)),
        ],
        out_specs=pl.BlockSpec((BN, D), lambda i: (i, 0)),
        out_shape=jax.ShapeDtypeStruct((N, D), jnp.float32),
    )


def kernel(X, edge_index, W_self, W_neigh, b):
    N, D = X.shape
    E = edge_index.shape[1]
    NP = _ceil_to(N + 1, NS * C)
    E_pad = _ceil_to(E, NW * C)
    EPW = E_pad // NW
    EPT = E_pad // NS

    src = edge_index[0]
    dst = edge_index[1]
    pad = E_pad - E
    zpad = jnp.zeros((pad,), jnp.int32)
    gpad = jnp.full((pad,), N, jnp.int32)
    src_g = jnp.concatenate([src, zpad])
    dst_g = jnp.concatenate([dst, zpad])
    src_s = jnp.concatenate([src, gpad])
    dst_s = jnp.concatenate([dst, gpad])
    hist_idx = jnp.concatenate([dst_s, src_s])

    agg2, hist2 = _make_stage1(N, D, NP, EPW, EPT)(X, src_g, dst_s, hist_idx)
    agg2 = agg2.reshape(NC, NP, D)
    hist2 = hist2.reshape(NC, NP)
    deg_col = hist2[0, :N, None]
    cnt_col = hist2[1, :N, None]
    h = _make_conv(N, D, 400)(X, agg2, deg_col, W_self, W_neigh, b.reshape(1, D))
    s2 = _make_stage2(N, D, NP, EPW)(h, src_g, dst_g, src_s)
    s2 = s2.reshape(NC, NP, D)
    gg = _make_final(N, D, 400)(s2, cnt_col)
    return gg

# --- scband reference (transcript-rebuilt; emitter-appended) ---
"""Pipeline reference for scband-g2-24601572672050 (READ-ONLY COPY).

The authoritative reference and input builder live on the scoring server;
editing this copy changes nothing except your own understanding.
"""

import jax, jax.numpy as jnp
import numpy as np

N = 10000
E = 320000
D = 128
P = 2.0


def setup_inputs(seed: int = 0) -> dict:
    key = jax.random.key(seed)
    k1, k2, k3, k4 = jax.random.split(key, 4)
    X = jax.random.normal(k1, (N, D), dtype=jnp.float32)
    edge_index = jax.random.randint(k2, (2, E), 0, N, dtype=jnp.int32)
    scale = 1.0 / np.sqrt(D)
    W_self = jax.random.normal(k3, (D, D), dtype=jnp.float32) * scale
    W_neigh = jax.random.normal(k4, (D, D), dtype=jnp.float32) * scale
    b = jnp.zeros((D,), dtype=jnp.float32)
    return {"X": X, "edge_index": edge_index, "W_self": W_self, "W_neigh": W_neigh, "b": b}


def reference(X, edge_index, W_self, W_neigh, b):
    src = edge_index[0]
    dst = edge_index[1]
    n_nodes = X.shape[0]
    # GraphSAGE conv (mean aggregation): h = X @ W_self + mean_neigh(X) @ W_neigh + b
    msg = jnp.take(X, src, axis=0)
    agg = jax.ops.segment_sum(msg, dst, num_segments=n_nodes)
    ones_e = jnp.ones((src.shape[0],), dtype=X.dtype)
    deg = jax.ops.segment_sum(ones_e, dst, num_segments=n_nodes)
    mean_neigh = agg / jnp.clip(deg, 1.0)[:, None]
    h = X @ W_self + mean_neigh @ W_neigh + b
    # activation (ReLU, the default nn.ReLU())
    h = jax.nn.relu(h)
    # gg = tanh( scatter_mean( |h[src] - h[dst]|^p, src ) )
    diff = jnp.abs(jnp.take(h, src, axis=0) - jnp.take(h, dst, axis=0)) ** P
    s = jax.ops.segment_sum(diff, src, num_segments=n_nodes)
    cnt = jax.ops.segment_sum(ones_e, src, num_segments=n_nodes)
    gg = jnp.tanh(s / jnp.clip(cnt, 1.0)[:, None])
    return gg

if __name__ == "__main__":
    import jax
    _d = setup_inputs()
    print(jax.jit(kernel)(*tuple(_d.values())))

</pallas_src>

<mosaic_0001>
#map = affine_map<(d0, d1) -> (0, 0)>
#map1 = affine_map<(d0, d1) -> (0)>
module attributes {stable_mosaic.version = 14 : i64} {
  func.func @stage2(%arg0: i32, %arg1: i32, %arg2: memref<10000x128xf32, #tpu.memory_space<hbm>>, %arg3: memref<323584xi32, #tpu.memory_space<hbm>>, %arg4: memref<323584xi32, #tpu.memory_space<hbm>>, %arg5: memref<323584xi32, #tpu.memory_space<hbm>>, %arg6: memref<20480x128xf32, #tpu.memory_space<hbm>>, %arg7: memref<128xi32, #tpu.memory_space<vmem>>, %arg8: memref<128xi32, #tpu.memory_space<vmem>>, %arg9: memref<128xi32, #tpu.memory_space<vmem>>, %arg10: memref<128x128xf32, #tpu.memory_space<vmem>>, %arg11: memref<128x128xf32, #tpu.memory_space<vmem>>, %arg12: memref<10240x128xf32, #tpu.memory_space<vmem_shared>>, %arg13: memref<!tpu.dma_semaphore, #tpu.memory_space<semaphore_mem>>, %arg14: memref<!tpu.dma_semaphore, #tpu.memory_space<semaphore_mem>>) attributes {dimension_semantics = [#tpu.dimension_semantics<core_parallel>, #tpu.dimension_semantics<subcore_parallel>], iteration_bounds = array<i64: 2, 16>, scalar_prefetch = 0 : i64, scratch_operands = 8 : i64, tpu.core_type = #tpu.core_type<sc_vector_subcore>, window_params = [{transform_indices = #map}, {transform_indices = #map1}, {transform_indices = #map1}, {transform_indices = #map1}, {transform_indices = #map}]} {
    %mul3A = arith.constant 2 : i32
    %mul3A_0 = arith.muli %arg1, %mul3A : i32
    %add3A = arith.addi %mul3A_0, %arg0 : i32
    %broadcast_in_dim3A = arith.constant 0.000000e+00 : f32
    %broadcast_in_dim3A_1 = vector.broadcast %broadcast_in_dim3A : f32 to vector<16xf32>
    %scan3A = arith.constant 0 : i32
    %scan3A_2 = arith.constant 0 : i32
    %scan3A_3 = arith.constant 128 : i32
    %scan3A_4 = arith.addi %scan3A_2, %scan3A_3 : i32
    %scan3A_5 = arith.constant 1 : i32
    %scan3A_6 = scf.for %scan3A_63 = %scan3A_2 to %scan3A_4 step %scan3A_5 iter_args(%scan3A_64 = %scan3A) -> (i32)  : i32 {
      %swap3A = arith.index_cast %scan3A_63 : i32 to index
      %swap3A_65 = arith.constant 0 : index
      %swap3A_66 = tpu.vector_load %arg10[%swap3A, %swap3A_65] {strides = array<i32>} : memref<128x128xf32, #tpu.memory_space<vmem>>, vector<1x16xf32>,
      %swap3A_67 = vector.shape_cast %swap3A_66 : vector<1x16xf32> to vector<16xf32>
      %swap3A_68 = vector.shape_cast %broadcast_in_dim3A_1 : vector<16xf32> to vector<1x16xf32>
      tpu.vector_store %arg10[%swap3A, %swap3A_65], %swap3A_68 {strides = array<i32>} : memref<128x128xf32, #tpu.memory_space<vmem>>, vector<1x16xf32>,
      %swap3A_69 = arith.index_cast %scan3A_63 : i32 to index
      %swap3A_70 = arith.constant 16 : index
      %swap3A_71 = tpu.vector_load %arg10[%swap3A_69, %swap3A_70] {strides = array<i32>} : memref<128x128xf32, #tpu.memory_space<vmem>>, vector<1x16xf32>,
      %swap3A_72 = vector.shape_cast %swap3A_71 : vector<1x16xf32> to vector<16xf32>
      %swap3A_73 = vector.shape_cast %broadcast_in_dim3A_1 : vector<16xf32> to vector<1x16xf32>
      tpu.vector_store %arg10[%swap3A_69, %swap3A_70], %swap3A_73 {strides = array<i32>} : memref<128x128xf32, #tpu.memory_space<vmem>>, vector<1x16xf32>,
      %swap3A_74 = arith.index_cast %scan3A_63 : i32 to index
      %swap3A_75 = arith.constant 32 : index
      %swap3A_76 = tpu.vector_load %arg10[%swap3A_74, %swap3A_75] {strides = array<i32>} : memref<128x128xf32, #tpu.memory_space<vmem>>, vector<1x16xf32>,
      %swap3A_77 = vector.shape_cast %swap3A_76 : vector<1x16xf32> to vector<16xf32>
      %swap3A_78 = vector.shape_cast %broadcast_in_dim3A_1 : vector<16xf32> to vector<1x16xf32>
      tpu.vector_store %arg10[%swap3A_74, %swap3A_75], %swap3A_78 {strides = array<i32>} : memref<128x128xf32, #tpu.memory_space<vmem>>, vector<1x16xf32>,
      %swap3A_79 = arith.index_cast %scan3A_63 : i32 to index
      %swap3A_80 = arith.constant 48 : index
      %swap3A_81 = tpu.vector_load %arg10[%swap3A_79, %swap3A_80] {strides = array<i32>} : memref<128x128xf32, #tpu.memory_space<vmem>>, vector<1x16xf32>,
      %swap3A_82 = vector.shape_cast %swap3A_81 : vector<1x16xf32> to vector<16xf32>
      %swap3A_83 = vector.shape_cast %broadcast_in_dim3A_1 : vector<16xf32> to vector<1x16xf32>
      tpu.vector_store %arg10[%swap3A_79, %swap3A_80], %swap3A_83 {strides = array<i32>} : memref<128x128xf32, #tpu.memory_space<vmem>>, vector<1x16xf32>,
      %swap3A_84 = arith.index_cast %scan3A_63 : i32 to index
      %swap3A_85 = arith.constant 64 : index
      %swap3A_86 = tpu.vector_load %arg10[%swap3A_84, %swap3A_85] {strides = array<i32>} : memref<128x128xf32, #tpu.memory_space<vmem>>, vector<1x16xf32>,
      %swap3A_87 = vector.shape_cast %swap3A_86 : vector<1x16xf32> to vector<16xf32>
      %swap3A_88 = vector.shape_cast %broadcast_in_dim3A_1 : vector<16xf32> to vector<1x16xf32>
      tpu.vector_store %arg10[%swap3A_84, %swap3A_85], %swap3A_88 {strides = array<i32>} : memref<128x128xf32, #tpu.memory_space<vmem>>, vector<1x16xf32>,
      %swap3A_89 = arith.index_cast %scan3A_63 : i32 to index
      %swap3A_90 = arith.constant 80 : index
      %swap3A_91 = tpu.vector_load %arg10[%swap3A_89, %swap3A_90] {strides = array<i32>} : memref<128x128xf32, #tpu.memory_space<vmem>>, vector<1x16xf32>,
      %swap3A_92 = vector.shape_cast %swap3A_91 : vector<1x16xf32> to vector<16xf32>
      %swap3A_93 = vector.shape_cast %broadcast_in_dim3A_1 : vector<16xf32> to vector<1x16xf32>
      tpu.vector_store %arg10[%swap3A_89, %swap3A_90], %swap3A_93 {strides = array<i32>} : memref<128x128xf32, #tpu.memory_space<vmem>>, vector<1x16xf32>,
      %swap3A_94 = arith.index_cast %scan3A_63 : i32 to index
      %swap3A_95 = arith.constant 96 : index
      %swap3A_96 = tpu.vector_load %arg10[%swap3A_94, %swap3A_95] {strides = array<i32>} : memref<128x128xf32, #tpu.memory_space<vmem>>, vector<1x16xf32>,
      %swap3A_97 = vector.shape_cast %swap3A_96 : vector<1x16xf32> to vector<16xf32>
      %swap3A_98 = vector.shape_cast %broadcast_in_dim3A_1 : vector<16xf32> to vector<1x16xf32>
      tpu.vector_store %arg10[%swap3A_94, %swap3A_95], %swap3A_98 {strides = array<i32>} : memref<128x128xf32, #tpu.memory_space<vmem>>, vector<1x16xf32>,
      %swap3A_99 = arith.index_cast %scan3A_63 : i32 to index
      %swap3A_100 = arith.constant 112 : index
      %swap3A_101 = tpu.vector_load %arg10[%swap3A_99, %swap3A_100] {strides = array<i32>} : memref<128x128xf32, #tpu.memory_space<vmem>>, vector<1x16xf32>,
      %swap3A_102 = vector.shape_cast %swap3A_101 : vector<1x16xf32> to vector<16xf32>
      %swap3A_103 = vector.shape_cast %broadcast_in_dim3A_1 : vector<16xf32> to vector<1x16xf32>
      tpu.vector_store %arg10[%swap3A_99, %swap3A_100], %swap3A_103 {strides = array<i32>} : memref<128x128xf32, #tpu.memory_space<vmem>>, vector<1x16xf32>,
      %scan3A_104 = arith.constant 0 : i32
      scf.yield %scan3A_104 : i32
    }
    %scan3A_7 = arith.constant 128 : i32
    %mul3A_8 = arith.constant 640 : i32
    %mul3A_9 = arith.muli %arg1, %mul3A_8 : i32
    %add3A_10 = arith.constant 0 : i32
    %add3A_11 = arith.addi %mul3A_9, %add3A_10 : i32
    "tpu.region"() ({
      %run_scoped3A = tpu.sem_alloc : memref<!tpu.dma_semaphore, #tpu.memory_space<semaphore_mem>>
      %dma_start3A = arith.constant 0 : i32
      %dma_start3A_63 = tpu.memref_slice %arg12[%add3A_11, %dma_start3A] : memref<10240x128xf32, #tpu.memory_space<vmem_shared>> -> memref<128x128xf32, #tpu.memory_space<vmem_shared>>
      %dma_start3A_64 = arith.constant 0 : i32
      %dma_start3A_65 = tpu.memref_slice %arg12[%add3A_11, %dma_start3A_64] : memref<10240x128xf32, #tpu.memory_space<vmem_shared>> -> memref<128x128xf32, #tpu.memory_space<vmem_shared>>
      tpu.enqueue_dma source(%arg10 : memref<128x128xf32, #tpu.memory_space<vmem>>) target(%dma_start3A_65 : memref<128x128xf32, #tpu.memory_space<vmem_shared>>) target_semaphore(%run_scoped3A : memref<!tpu.dma_semaphore, #tpu.memory_space<semaphore_mem>>)
      %dma_wait3A = arith.constant 0 : i32
      %dma_wait3A_66 = tpu.memref_slice %arg12[%add3A_11, %dma_wait3A] : memref<10240x128xf32, #tpu.memory_space<vmem_shared>> -> memref<128x128xf32, #tpu.memory_space<vmem_shared>>
      %dma_wait3A_67 = arith.constant 0 : i32
      %dma_wait3A_68 = tpu.memref_slice %arg12[%add3A_11, %dma_wait3A_67] : memref<10240x128xf32, #tpu.memory_space<vmem_shared>> -> memref<128x128xf32, #tpu.memory_space<vmem_shared>>
      tpu.wait_dma2 semaphore(%run_scoped3A : memref<!tpu.dma_semaphore, #tpu.memory_space<semaphore_mem>>) src(%arg10 : memref<128x128xf32, #tpu.memory_space<vmem>>) dst(%dma_wait3A_68 : memref<128x128xf32, #tpu.memory_space<vmem_shared>>)
      tpu.yield
    }) : () -> ()
    %add3A_12 = arith.constant 128 : i32
    %add3A_13 = arith.addi %mul3A_9, %add3A_12 : i32
    "tpu.region"() ({
      %run_scoped3A = tpu.sem_alloc : memref<!tpu.dma_semaphore, #tpu.memory_space<semaphore_mem>>
      %dma_start3A = arith.constant 0 : i32
      %dma_start3A_63 = tpu.memref_slice %arg12[%add3A_13, %dma_start3A] : memref<10240x128xf32, #tpu.memory_space<vmem_shared>> -> memref<128x128xf32, #tpu.memory_space<vmem_shared>>
      %dma_start3A_64 = arith.constant 0 : i32
      %dma_start3A_65 = tpu.memref_slice %arg12[%add3A_13, %dma_start3A_64] : memref<10240x128xf32, #tpu.memory_space<vmem_shared>> -> memref<128x128xf32, #tpu.memory_space<vmem_shared>>
      tpu.enqueue_dma source(%arg10 : memref<128x128xf32, #tpu.memory_space<vmem>>) target(%dma_start3A_65 : memref<128x128xf32, #tpu.memory_space<vmem_shared>>) target_semaphore(%run_scoped3A : memref<!tpu.dma_semaphore, #tpu.memory_space<semaphore_mem>>)
      %dma_wait3A = arith.constant 0 : i32
      %dma_wait3A_66 = tpu.memref_slice %arg12[%add3A_13, %dma_wait3A] : memref<10240x128xf32, #tpu.memory_space<vmem_shared>> -> memref<128x128xf32, #tpu.memory_space<vmem_shared>>
      %dma_wait3A_67 = arith.constant 0 : i32
      %dma_wait3A_68 = tpu.memref_slice %arg12[%add3A_13, %dma_wait3A_67] : memref<10240x128xf32, #tpu.memory_space<vmem_shared>> -> memref<128x128xf32, #tpu.memory_space<vmem_shared>>
      tpu.wait_dma2 semaphore(%run_scoped3A : memref<!tpu.dma_semaphore, #tpu.memory_space<semaphore_mem>>) src(%arg10 : memref<128x128xf32, #tpu.memory_space<vmem>>) dst(%dma_wait3A_68 : memref<128x128xf32, #tpu.memory_space<vmem_shared>>)
      tpu.yield
    }) : () -> ()
    %add3A_14 = arith.constant 256 : i32
    %add3A_15 = arith.addi %mul3A_9, %add3A_14 : i32
    "tpu.region"() ({
      %run_scoped3A = tpu.sem_alloc : memref<!tpu.dma_semaphore, #tpu.memory_space<semaphore_mem>>
      %dma_start3A = arith.constant 0 : i32
      %dma_start3A_63 = tpu.memref_slice %arg12[%add3A_15, %dma_start3A] : memref<10240x128xf32, #tpu.memory_space<vmem_shared>> -> memref<128x128xf32, #tpu.memory_space<vmem_shared>>
      %dma_start3A_64 = arith.constant 0 : i32
      %dma_start3A_65 = tpu.memref_slice %arg12[%add3A_15, %dma_start3A_64] : memref<10240x128xf32, #tpu.memory_space<vmem_shared>> -> memref<128x128xf32, #tpu.memory_space<vmem_shared>>
      tpu.enqueue_dma source(%arg10 : memref<128x128xf32, #tpu.memory_space<vmem>>) target(%dma_start3A_65 : memref<128x128xf32, #tpu.memory_space<vmem_shared>>) target_semaphore(%run_scoped3A : memref<!tpu.dma_semaphore, #tpu.memory_space<semaphore_mem>>)
      %dma_wait3A = arith.constant 0 : i32
      %dma_wait3A_66 = tpu.memref_slice %arg12[%add3A_15, %dma_wait3A] : memref<10240x128xf32, #tpu.memory_space<vmem_shared>> -> memref<128x128xf32, #tpu.memory_space<vmem_shared>>
      %dma_wait3A_67 = arith.constant 0 : i32
      %dma_wait3A_68 = tpu.memref_slice %arg12[%add3A_15, %dma_wait3A_67] : memref<10240x128xf32, #tpu.memory_space<vmem_shared>> -> memref<128x128xf32, #tpu.memory_space<vmem_shared>>
      tpu.wait_dma2 semaphore(%run_scoped3A : memref<!tpu.dma_semaphore, #tpu.memory_space<semaphore_mem>>) src(%arg10 : memref<128x128xf32, #tpu.memory_space<vmem>>) dst(%dma_wait3A_68 : memref<128x128xf32, #tpu.memory_space<vmem_shared>>)
      tpu.yield
    }) : () -> ()
    %add3A_16 = arith.constant 384 : i32
    %add3A_17 = arith.addi %mul3A_9, %add3A_16 : i32
    "tpu.region"() ({
      %run_scoped3A = tpu.sem_alloc : memref<!tpu.dma_semaphore, #tpu.memory_space<semaphore_mem>>
      %dma_start3A = arith.constant 0 : i32
      %dma_start3A_63 = tpu.memref_slice %arg12[%add3A_17, %dma_start3A] : memref<10240x128xf32, #tpu.memory_space<vmem_shared>> -> memref<128x128xf32, #tpu.memory_space<vmem_shared>>
      %dma_start3A_64 = arith.constant 0 : i32
      %dma_start3A_65 = tpu.memref_slice %arg12[%add3A_17, %dma_start3A_64] : memref<10240x128xf32, #tpu.memory_space<vmem_shared>> -> memref<128x128xf32, #tpu.memory_space<vmem_shared>>
      tpu.enqueue_dma source(%arg10 : memref<128x128xf32, #tpu.memory_space<vmem>>) target(%dma_start3A_65 : memref<128x128xf32, #tpu.memory_space<vmem_shared>>) target_semaphore(%run_scoped3A : memref<!tpu.dma_semaphore, #tpu.memory_space<semaphore_mem>>)
      %dma_wait3A = arith.constant 0 : i32
      %dma_wait3A_66 = tpu.memref_slice %arg12[%add3A_17, %dma_wait3A] : memref<10240x128xf32, #tpu.memory_space<vmem_shared>> -> memref<128x128xf32, #tpu.memory_space<vmem_shared>>
      %dma_wait3A_67 = arith.constant 0 : i32
      %dma_wait3A_68 = tpu.memref_slice %arg12[%add3A_17, %dma_wait3A_67] : memref<10240x128xf32, #tpu.memory_space<vmem_shared>> -> memref<128x128xf32, #tpu.memory_space<vmem_shared>>
      tpu.wait_dma2 semaphore(%run_scoped3A : memref<!tpu.dma_semaphore, #tpu.memory_space<semaphore_mem>>) src(%arg10 : memref<128x128xf32, #tpu.memory_space<vmem>>) dst(%dma_wait3A_68 : memref<128x128xf32, #tpu.memory_space<vmem_shared>>)
      tpu.yield
    }) : () -> ()
    %add3A_18 = arith.constant 512 : i32
    %add3A_19 = arith.addi %mul3A_9, %add3A_18 : i32
    "tpu.region"() ({
      %run_scoped3A = tpu.sem_alloc : memref<!tpu.dma_semaphore, #tpu.memory_space<semaphore_mem>>
      %dma_start3A = arith.constant 0 : i32
      %dma_start3A_63 = tpu.memref_slice %arg12[%add3A_19, %dma_start3A] : memref<10240x128xf32, #tpu.memory_space<vmem_shared>> -> memref<128x128xf32, #tpu.memory_space<vmem_shared>>
      %dma_start3A_64 = arith.constant 0 : i32
      %dma_start3A_65 = tpu.memref_slice %arg12[%add3A_19, %dma_start3A_64] : memref<10240x128xf32, #tpu.memory_space<vmem_shared>> -> memref<128x128xf32, #tpu.memory_space<vmem_shared>>
      tpu.enqueue_dma source(%arg10 : memref<128x128xf32, #tpu.memory_space<vmem>>) target(%dma_start3A_65 : memref<128x128xf32, #tpu.memory_space<vmem_shared>>) target_semaphore(%run_scoped3A : memref<!tpu.dma_semaphore, #tpu.memory_space<semaphore_mem>>)
      %dma_wait3A = arith.constant 0 : i32
      %dma_wait3A_66 = tpu.memref_slice %arg12[%add3A_19, %dma_wait3A] : memref<10240x128xf32, #tpu.memory_space<vmem_shared>> -> memref<128x128xf32, #tpu.memory_space<vmem_shared>>
      %dma_wait3A_67 = arith.constant 0 : i32
      %dma_wait3A_68 = tpu.memref_slice %arg12[%add3A_19, %dma_wait3A_67] : memref<10240x128xf32, #tpu.memory_space<vmem_shared>> -> memref<128x128xf32, #tpu.memory_space<vmem_shared>>
      tpu.wait_dma2 semaphore(%run_scoped3A : memref<!tpu.dma_semaphore, #tpu.memory_space<semaphore_mem>>) src(%arg10 : memref<128x128xf32, #tpu.memory_space<vmem>>) dst(%dma_wait3A_68 : memref<128x128xf32, #tpu.memory_space<vmem_shared>>)
      tpu.yield
    }) : () -> ()
    %barrier3A = arith.constant 0 : index
    tpu.barrier barrier_id(%barrier3A)
    %scan3A_20 = arith.constant 0 : i32
    %scan3A_21 = arith.constant 0 : i32
    %scan3A_22 = arith.constant 79 : i32
    %scan3A_23 = arith.addi %scan3A_21, %scan3A_22 : i32
    %scan3A_24 = arith.constant 1 : i32
    %scan3A_25 = scf.for %scan3A_63 = %scan3A_21 to %scan3A_23 step %scan3A_24 iter_args(%scan3A_64 = %scan3A_20) -> (i32)  : i32 {
      %mul3A_65 = arith.constant 10112 : i32
      %mul3A_66 = arith.muli %add3A, %mul3A_65 : i32
      %mul3A_67 = arith.constant 128 : i32
      %mul3A_68 = arith.muli %scan3A_63, %mul3A_67 : i32
      %add3A_69 = arith.addi %mul3A_66, %mul3A_68 : i32
      %dma_start3A = tpu.memref_slice %arg3[%add3A_69] : memref<323584xi32, #tpu.memory_space<hbm>> -> memref<128xi32, #tpu.memory_space<hbm>>
      %dma_start3A_70 = tpu.memref_slice %arg3[%add3A_69] : memref<323584xi32, #tpu.memory_space<hbm>> -> memref<128xi32, #tpu.memory_space<hbm>>
      tpu.enqueue_dma source(%dma_start3A_70 : memref<128xi32, #tpu.memory_space<hbm>>) target(%arg7 : memref<128xi32, #tpu.memory_space<vmem>>) target_semaphore(%arg13 : memref<!tpu.dma_semaphore, #tpu.memory_space<semaphore_mem>>)
      %dma_start3A_71 = tpu.memref_slice %arg4[%add3A_69] : memref<323584xi32, #tpu.memory_space<hbm>> -> memref<128xi32, #tpu.memory_space<hbm>>
      %dma_start3A_72 = tpu.memref_slice %arg4[%add3A_69] : memref<323584xi32, #tpu.memory_space<hbm>> -> memref<128xi32, #tpu.memory_space<hbm>>
      tpu.enqueue_dma source(%dma_start3A_72 : memref<128xi32, #tpu.memory_space<hbm>>) target(%arg8 : memref<128xi32, #tpu.memory_space<vmem>>) target_semaphore(%arg14 : memref<!tpu.dma_semaphore, #tpu.memory_space<semaphore_mem>>)
      %dma_start3A_73 = tpu.memref_slice %arg5[%add3A_69] : memref<323584xi32, #tpu.memory_space<hbm>> -> memref<128xi32, #tpu.memory_space<hbm>>
      %dma_start3A_74 = tpu.memref_slice %arg5[%add3A_69] : memref<323584xi32, #tpu.memory_space<hbm>> -> memref<128xi32, #tpu.memory_space<hbm>>
      tpu.enqueue_dma source(%dma_start3A_74 : memref<128xi32, #tpu.memory_space<hbm>>) target(%arg9 : memref<128xi32, #tpu.memory_space<vmem>>) target_semaphore(%arg13 : memref<!tpu.dma_semaphore, #tpu.memory_space<semaphore_mem>>)
      %dma_wait3A = tpu.memref_slice %arg3[%add3A_69] : memref<323584xi32, #tpu.memory_space<hbm>> -> memref<128xi32, #tpu.memory_space<hbm>>
      %dma_wait3A_75 = tpu.memref_slice %arg3[%add3A_69] : memref<323584xi32, #tpu.memory_space<hbm>> -> memref<128xi32, #tpu.memory_space<hbm>>
      tpu.wait_dma2 semaphore(%arg13 : memref<!tpu.dma_semaphore, #tpu.memory_space<semaphore_mem>>) src(%dma_wait3A_75 : memref<128xi32, #tpu.memory_space<hbm>>) dst(%arg7 : memref<128xi32, #tpu.memory_space<vmem>>)
      %dma_wait3A_76 = tpu.memref_slice %arg4[%add3A_69] : memref<323584xi32, #tpu.memory_space<hbm>> -> memref<128xi32, #tpu.memory_space<hbm>>
      %dma_wait3A_77 = tpu.memref_slice %arg4[%add3A_69] : memref<323584xi32, #tpu.memory_space<hbm>> -> memref<128xi32, #tpu.memory_space<hbm>>
      tpu.wait_dma2 semaphore(%arg14 : memref<!tpu.dma_semaphore, #tpu.memory_space<semaphore_mem>>) src(%dma_wait3A_77 : memref<128xi32, #tpu.memory_space<hbm>>) dst(%arg8 : memref<128xi32, #tpu.memory_space<vmem>>)
      %dma_wait3A_78 = tpu.memref_slice %arg5[%add3A_69] : memref<323584xi32, #tpu.memory_space<hbm>> -> memref<128xi32, #tpu.memory_space<hbm>>
      %dma_wait3A_79 = tpu.memref_slice %arg5[%add3A_69] : memref<323584xi32, #tpu.memory_space<hbm>> -> memref<128xi32, #tpu.memory_space<hbm>>
      tpu.wait_dma2 semaphore(%arg13 : memref<!tpu.dma_semaphore, #tpu.memory_space<semaphore_mem>>) src(%dma_wait3A_79 : memref<128xi32, #tpu.memory_space<hbm>>) dst(%arg9 : memref<128xi32, #tpu.memory_space<vmem>>)
      %dma_start3A_80 = arith.constant 0 : i32
      %dma_start3A_81 = arith.constant 0 : i32
      %dma_start3A_82 = tpu.memref_slice %arg2[%dma_start3A_80, %dma_start3A_81] : memref<10000x128xf32, #tpu.memory_space<hbm>> -> memref<10000x128xf32, #tpu.memory_space<hbm>>
      tpu.enqueue_indirect_dma source(%dma_start3A_82 : memref<10000x128xf32, #tpu.memory_space<hbm>>) target(%arg10 : memref<128x128xf32, #tpu.memory_space<vmem>>) offsets(%arg7 : memref<128xi32, #tpu.memory_space<vmem>>) semaphore(%arg13 : memref<!tpu.dma_semaphore, #tpu.memory_space<semaphore_mem>>)
      %dma_start3A_83 = arith.constant 0 : i32
      %dma_start3A_84 = arith.constant 0 : i32
      %dma_start3A_85 = tpu.memref_slice %arg2[%dma_start3A_83, %dma_start3A_84] : memref<10000x128xf32, #tpu.memory_space<hbm>> -> memref<10000x128xf32, #tpu.memory_space<hbm>>
      tpu.enqueue_indirect_dma source(%dma_start3A_85 : memref<10000x128xf32, #tpu.memory_space<hbm>>) target(%arg11 : memref<128x128xf32, #tpu.memory_space<vmem>>) offsets(%arg8 : memref<128xi32, #tpu.memory_space<vmem>>) semaphore(%arg14 : memref<!tpu.dma_semaphore, #tpu.memory_space<semaphore_mem>>)
      %dma_wait3A_86 = arith.constant 0 : i32
      %dma_wait3A_87 = arith.constant 0 : i32
      %dma_wait3A_88 = tpu.memref_slice %arg2[%dma_wait3A_86, %dma_wait3A_87] : memref<10000x128xf32, #tpu.memory_space<hbm>> -> memref<10000x128xf32, #tpu.memory_space<hbm>>
      tpu.wait_indirect_dma semaphore(%arg13 : memref<!tpu.dma_semaphore, #tpu.memory_space<semaphore_mem>>) src(%dma_wait3A_88 : memref<10000x128xf32, #tpu.memory_space<hbm>>) dst(%arg10 : memref<128x128xf32, #tpu.memory_space<vmem>>)
      %dma_wait3A_89 = arith.constant 0 : i32
      %dma_wait3A_90 = arith.constant 0 : i32
      %dma_wait3A_91 = tpu.memref_slice %arg2[%dma_wait3A_89, %dma_wait3A_90] : memref<10000x128xf32, #tpu.memory_space<hbm>> -> memref<10000x128xf32, #tpu.memory_space<hbm>>
      tpu.wait_indirect_dma semaphore(%arg14 : memref<!tpu.dma_semaphore, #tpu.memory_space<semaphore_mem>>) src(%dma_wait3A_91 : memref<10000x128xf32, #tpu.memory_space<hbm>>) dst(%arg11 : memref<128x128xf32, #tpu.memory_space<vmem>>)
      %scan3A_92 = arith.constant 0 : i32
      %scan3A_93 = arith.constant 0 : i32
      %scan3A_94 = arith.constant 128 : i32
      %scan3A_95 = arith.addi %scan3A_93, %scan3A_94 : i32
      %scan3A_96 = arith.constant 1 : i32
      %scan3A_97 = scf.for %scan3A_100 = %scan3A_93 to %scan3A_95 step %scan3A_96 iter_args(%scan3A_101 = %scan3A_92) -> (i32)  : i32 {
        %get3A = arith.index_cast %scan3A_100 : i32 to index
        %get3A_102 = arith.constant 0 : index
        %get3A_103 = tpu.vector_load %arg10[%get3A, %get3A_102] {strides = array<i32>} : memref<128x128xf32, #tpu.memory_space<vmem>>, vector<1x16xf32>,
        %get3A_104 = vector.shape_cast %get3A_103 : vector<1x16xf32> to vector<16xf32>
        %get3A_105 = arith.index_cast %scan3A_100 : i32 to index
        %get3A_106 = arith.constant 0 : index
        %get3A_107 = tpu.vector_load %arg11[%get3A_105, %get3A_106] {strides = array<i32>} : memref<128x128xf32, #tpu.memory_space<vmem>>, vector<1x16xf32>,
        %get3A_108 = vector.shape_cast %get3A_107 : vector<1x16xf32> to vector<16xf32>
        %sub3A = arith.subf %get3A_104, %get3A_108 : vector<16xf32>
        %mul3A_109 = arith.mulf %sub3A, %sub3A : vector<16xf32>
        %swap3A = arith.index_cast %scan3A_100 : i32 to index
        %swap3A_110 = arith.constant 0 : index
        %swap3A_111 = tpu.vector_load %arg10[%swap3A, %swap3A_110] {strides = array<i32>} : memref<128x128xf32, #tpu.memory_space<vmem>>, vector<1x16xf32>,
        %swap3A_112 = vector.shape_cast %swap3A_111 : vector<1x16xf32> to vector<16xf32>
        %swap3A_113 = vector.shape_cast %mul3A_109 : vector<16xf32> to vector<1x16xf32>
        tpu.vector_store %arg10[%swap3A, %swap3A_110], %swap3A_113 {strides = array<i32>} : memref<128x128xf32, #tpu.memory_space<vmem>>, vector<1x16xf32>,
        %get3A_114 = arith.index_cast %scan3A_100 : i32 to index
        %get3A_115 = arith.constant 16 : index
        %get3A_116 = tpu.vector_load %arg10[%get3A_114, %get3A_115] {strides = array<i32>} : memref<128x128xf32, #tpu.memory_space<vmem>>, vector<1x16xf32>,
        %get3A_117 = vector.shape_cast %get3A_116 : vector<1x16xf32> to vector<16xf32>
        %get3A_118 = arith.index_cast %scan3A_100 : i32 to index
        %get3A_119 = arith.constant 16 : index
        %get3A_120 = tpu.vector_load %arg11[%get3A_118, %get3A_119] {strides = array<i32>} : memref<128x128xf32, #tpu.memory_space<vmem>>, vector<1x16xf32>,
        %get3A_121 = vector.shape_cast %get3A_120 : vector<1x16xf32> to vector<16xf32>
        %sub3A_122 = arith.subf %get3A_117, %get3A_121 : vector<16xf32>
        %mul3A_123 = arith.mulf %sub3A_122, %sub3A_122 : vector<16xf32>
        %swap3A_124 = arith.index_cast %scan3A_100 : i32 to index
        %swap3A_125 = arith.constant 16 : index
        %swap3A_126 = tpu.vector_load %arg10[%swap3A_124, %swap3A_125] {strides = array<i32>} : memref<128x128xf32, #tpu.memory_space<vmem>>, vector<1x16xf32>,
        %swap3A_127 = vector.shape_cast %swap3A_126 : vector<1x16xf32> to vector<16xf32>
        %swap3A_128 = vector.shape_cast %mul3A_123 : vector<16xf32> to vector<1x16xf32>
        tpu.vector_store %arg10[%swap3A_124, %swap3A_125], %swap3A_128 {strides = array<i32>} : memref<128x128xf32, #tpu.memory_space<vmem>>, vector<1x16xf32>,
        %get3A_129 = arith.index_cast %scan3A_100 : i32 to index
        %get3A_130 = arith.constant 32 : index
        %get3A_131 = tpu.vector_load %arg10[%get3A_129, %get3A_130] {strides = array<i32>} : memref<128x128xf32, #tpu.memory_space<vmem>>, vector<1x16xf32>,
        %get3A_132 = vector.shape_cast %get3A_131 : vector<1x16xf32> to vector<16xf32>
        %get3A_133 = arith.index_cast %scan3A_100 : i32 to index
        %get3A_134 = arith.constant 32 : index
        %get3A_135 = tpu.vector_load %arg11[%get3A_133, %get3A_134] {strides = array<i32>} : memref<128x128xf32, #tpu.memory_space<vmem>>, vector<1x16xf32>,
        %get3A_136 = vector.shape_cast %get3A_135 : vector<1x16xf32> to vector<16xf32>
        %sub3A_137 = arith.subf %get3A_132, %get3A_136 : vector<16xf32>
        %mul3A_138 = arith.mulf %sub3A_137, %sub3A_137 : vector<16xf32>
        %swap3A_139 = arith.index_cast %scan3A_100 : i32 to index
        %swap3A_140 = arith.constant 32 : index
        %swap3A_141 = tpu.vector_load %arg10[%swap3A_139, %swap3A_140] {strides = array<i32>} : memref<128x128xf32, #tpu.memory_space<vmem>>, vector<1x16xf32>,
        %swap3A_142 = vector.shape_cast %swap3A_141 : vector<1x16xf32> to vector<16xf32>
        %swap3A_143 = vector.shape_cast %mul3A_138 : vector<16xf32> to vector<1x16xf32>
        tpu.vector_store %arg10[%swap3A_139, %swap3A_140], %swap3A_143 {strides = array<i32>} : memref<128x128xf32, #tpu.memory_space<vmem>>, vector<1x16xf32>,
        %get3A_144 = arith.index_cast %scan3A_100 : i32 to index
        %get3A_145 = arith.constant 48 : index
        %get3A_146 = tpu.vector_load %arg10[%get3A_144, %get3A_145] {strides = array<i32>} : memref<128x128xf32, #tpu.memory_space<vmem>>, vector<1x16xf32>,
        %get3A_147 = vector.shape_cast %get3A_146 : vector<1x16xf32> to vector<16xf32>
        %get3A_148 = arith.index_cast %scan3A_100 : i32 to index
        %get3A_149 = arith.constant 48 : index
        %get3A_150 = tpu.vector_load %arg11[%get3A_148, %get3A_149] {strides = array<i32>} : memref<128x128xf32, #tpu.memory_space<vmem>>, vector<1x16xf32>,
        %get3A_151 = vector.shape_cast %get3A_150 : vector<1x16xf32> to vector<16xf32>
        %sub3A_152 = arith.subf %get3A_147, %get3A_151 : vector<16xf32>
        %mul3A_153 = arith.mulf %sub3A_152, %sub3A_152 : vector<16xf32>
        %swap3A_154 = arith.index_cast %scan3A_100 : i32 to index
        %swap3A_155 = arith.constant 48 : index
        %swap3A_156 = tpu.vector_load %arg10[%swap3A_154, %swap3A_155] {strides = array<i32>} : memref<128x128xf32, #tpu.memory_space<vmem>>, vector<1x16xf32>,
        %swap3A_157 = vector.shape_cast %swap3A_156 : vector<1x16xf32> to vector<16xf32>
        %swap3A_158 = vector.shape_cast %mul3A_153 : vector<16xf32> to vector<1x16xf32>
        tpu.vector_store %arg10[%swap3A_154, %swap3A_155], %swap3A_158 {strides = array<i32>} : memref<128x128xf32, #tpu.memory_space<vmem>>, vector<1x16xf32>,
        %get3A_159 = arith.index_cast %scan3A_100 : i32 to index
        %get3A_160 = arith.constant 64 : index
        %get3A_161 = tpu.vector_load %arg10[%get3A_159, %get3A_160] {strides = array<i32>} : memref<128x128xf32, #tpu.memory_space<vmem>>, vector<1x16xf32>,
        %get3A_162 = vector.shape_cast %get3A_161 : vector<1x16xf32> to vector<16xf32>
        %get3A_163 = arith.index_cast %scan3A_100 : i32 to index
        %get3A_164 = arith.constant 64 : index
        %get3A_165 = tpu.vector_load %arg11[%get3A_163, %get3A_164] {strides = array<i32>} : memref<128x128xf32, #tpu.memory_space<vmem>>, vector<1x16xf32>,
        %get3A_166 = vector.shape_cast %get3A_165 : vector<1x16xf32> to vector<16xf32>
        %sub3A_167 = arith.subf %get3A_162, %get3A_166 : vector<16xf32>
        %mul3A_168 = arith.mulf %sub3A_167, %sub3A_167 : vector<16xf32>
        %swap3A_169 = arith.index_cast %scan3A_100 : i32 to index
        %swap3A_170 = arith.constant 64 : index
        %swap3A_171 = tpu.vector_load %arg10[%swap3A_169, %swap3A_170] {strides = array<i32>} : memref<128x128xf32, #tpu.memory_space<vmem>>, vector<1x16xf32>,
        %swap3A_172 = vector.shape_cast %swap3A_171 : vector<1x16xf32> to vector<16xf32>
        %swap3A_173 = vector.shape_cast %mul3A_168 : vector<16xf32> to vector<1x16xf32>
        tpu.vector_store %arg10[%swap3A_169, %swap3A_170], %swap3A_173 {strides = array<i32>} : memref<128x128xf32, #tpu.memory_space<vmem>>, vector<1x16xf32>,
        %get3A_174 = arith.index_cast %scan3A_100 : i32 to index
        %get3A_175 = arith.constant 80 : index
        %get3A_176 = tpu.vector_load %arg10[%get3A_174, %get3A_175] {strides = array<i32>} : memref<128x128xf32, #tpu.memory_space<vmem>>, vector<1x16xf32>,
        %get3A_177 = vector.shape_cast %get3A_176 : vector<1x16xf32> to vector<16xf32>
        %get3A_178 = arith.index_cast %scan3A_100 : i32 to index
        %get3A_179 = arith.constant 80 : index
        %get3A_180 = tpu.vector_load %arg11[%get3A_178, %get3A_179] {strides = array<i32>} : memref<128x128xf32, #tpu.memory_space<vmem>>, vector<1x16xf32>,
        %get3A_181 = vector.shape_cast %get3A_180 : vector<1x16xf32> to vector<16xf32>
        %sub3A_182 = arith.subf %get3A_177, %get3A_181 : vector<16xf32>
        %mul3A_183 = arith.mulf %sub3A_182, %sub3A_182 : vector<16xf32>
        %swap3A_184 = arith.index_cast %scan3A_100 : i32 to index
        %swap3A_185 = arith.constant 80 : index
        %swap3A_186 = tpu.vector_load %arg10[%swap3A_184, %swap3A_185] {strides = array<i32>} : memref<128x128xf32, #tpu.memory_space<vmem>>, vector<1x16xf32>,
        %swap3A_187 = vector.shape_cast %swap3A_186 : vector<1x16xf32> to vector<16xf32>
        %swap3A_188 = vector.shape_cast %mul3A_183 : vector<16xf32> to vector<1x16xf32>
        tpu.vector_store %arg10[%swap3A_184, %swap3A_185], %swap3A_188 {strides = array<i32>} : memref<128x128xf32, #tpu.memory_space<vmem>>, vector<1x16xf32>,
        %get3A_189 = arith.index_cast %scan3A_100 : i32 to index
        %get3A_190 = arith.constant 96 : index
        %get3A_191 = tpu.vector_load %arg10[%get3A_189, %get3A_190] {strides = array<i32>} : memref<128x128xf32, #tpu.memory_space<vmem>>, vector<1x16xf32>,
        %get3A_192 = vector.shape_cast %get3A_191 : vector<1x16xf32> to vector<16xf32>
        %get3A_193 = arith.index_cast %scan3A_100 : i32 to index
        %get3A_194 = arith.constant 96 : index
        %get3A_195 = tpu.vector_load %arg11[%get3A_193, %get3A_194] {strides = array<i32>} : memref<128x128xf32, #tpu.memory_space<vmem>>, vector<1x16xf32>,
        %get3A_196 = vector.shape_cast %get3A_195 : vector<1x16xf32> to vector<16xf32>
        %sub3A_197 = arith.subf %get3A_192, %get3A_196 : vector<16xf32>
        %mul3A_198 = arith.mulf %sub3A_197, %sub3A_197 : vector<16xf32>
        %swap3A_199 = arith.index_cast %scan3A_100 : i32 to index
        %swap3A_200 = arith.constant 96 : index
        %swap3A_201 = tpu.vector_load %arg10[%swap3A_199, %swap3A_200] {strides = array<i32>} : memref<128x128xf32, #tpu.memory_space<vmem>>, vector<1x16xf32>,
        %swap3A_202 = vector.shape_cast %swap3A_201 : vector<1x16xf32> to vector<16xf32>
        %swap3A_203 = vector.shape_cast %mul3A_198 : vector<16xf32> to vector<1x16xf32>
        tpu.vector_store %arg10[%swap3A_199, %swap3A_200], %swap3A_203 {strides = array<i32>} : memref<128x128xf32, #tpu.memory_space<vmem>>, vector<1x16xf32>,
        %get3A_204 = arith.index_cast %scan3A_100 : i32 to index
        %get3A_205 = arith.constant 112 : index
        %get3A_206 = tpu.vector_load %arg10[%get3A_204, %get3A_205] {strides = array<i32>} : memref<128x128xf32, #tpu.memory_space<vmem>>, vector<1x16xf32>,
        %get3A_207 = vector.shape_cast %get3A_206 : vector<1x16xf32> to vector<16xf32>
        %get3A_208 = arith.index_cast %scan3A_100 : i32 to index
        %get3A_209 = arith.constant 112 : index
        %get3A_210 = tpu.vector_load %arg11[%get3A_208, %get3A_209] {strides = array<i32>} : memref<128x128xf32, #tpu.memory_space<vmem>>, vector<1x16xf32>,
        %get3A_211 = vector.shape_cast %get3A_210 : vector<1x16xf32> to vector<16xf32>
        %sub3A_212 = arith.subf %get3A_207, %get3A_211 : vector<16xf32>
        %mul3A_213 = arith.mulf %sub3A_212, %sub3A_212 : vector<16xf32>
        %swap3A_214 = arith.index_cast %scan3A_100 : i32 to index
        %swap3A_215 = arith.constant 112 : index
        %swap3A_216 = tpu.vector_load %arg10[%swap3A_214, %swap3A_215] {strides = array<i32>} : memref<128x128xf32, #tpu.memory_space<vmem>>, vector<1x16xf32>,
        %swap3A_217 = vector.shape_cast %swap3A_216 : vector<1x16xf32> to vector<16xf32>
        %swap3A_218 = vector.shape_cast %mul3A_213 : vector<16xf32> to vector<1x16xf32>
        tpu.vector_store %arg10[%swap3A_214, %swap3A_215], %swap3A_218 {strides = array<i32>} : memref<128x128xf32, #tpu.memory_space<vmem>>, vector<1x16xf32>,
        %scan3A_219 = arith.constant 0 : i32
        scf.yield %scan3A_219 : i32
      }
      %scan3A_98 = arith.constant 128 : i32
      "tpu.region"() ({
        %run_scoped3A = tpu.sem_alloc : memref<!tpu.dma_semaphore, #tpu.memory_space<semaphore_mem>>
        %dma_start3A_100 = arith.constant 0 : i32
        %dma_start3A_101 = arith.constant 0 : i32
        %dma_start3A_102 = tpu.memref_slice %arg12[%dma_start3A_100, %dma_start3A_101] : memref<10240x128xf32, #tpu.memory_space<vmem_shared>> -> memref<10240x128xf32, #tpu.memory_space<vmem_shared>>
        tpu.enqueue_indirect_dma source(%arg10 : memref<128x128xf32, #tpu.memory_space<vmem>>) target(%dma_start3A_102 : memref<10240x128xf32, #tpu.memory_space<vmem_shared>>) offsets(%arg9 : memref<128xi32, #tpu.memory_space<vmem>>) semaphore(%run_scoped3A : memref<!tpu.dma_semaphore, #tpu.memory_space<semaphore_mem>>) {add = true}
        %dma_wait3A_103 = arith.constant 0 : i32
        %dma_wait3A_104 = arith.constant 0 : i32
        %dma_wait3A_105 = tpu.memref_slice %arg12[%dma_wait3A_103, %dma_wait3A_104] : memref<10240x128xf32, #tpu.memory_space<vmem_shared>> -> memref<10240x128xf32, #tpu.memory_space<vmem_shared>>
        tpu.wait_indirect_dma semaphore(%run_scoped3A : memref<!tpu.dma_semaphore, #tpu.memory_space<semaphore_mem>>) src(%arg10 : memref<128x128xf32, #tpu.memory_space<vmem>>) dst(%dma_wait3A_105 : memref<10240x128xf32, #tpu.memory_space<vmem_shared>>)
        tpu.yield
      }) : () -> ()
      %scan3A_99 = arith.constant 0 : i32
      scf.yield %scan3A_99 : i32
    }
    %scan3A_26 = arith.constant 79 : i32
    %barrier3A_27 = arith.constant 0 : index
    tpu.barrier barrier_id(%barrier3A_27)
    %add3A_28 = arith.constant 0 : i32
    %add3A_29 = arith.addi %mul3A_9, %add3A_28 : i32
    "tpu.region"() ({
      %run_scoped3A = tpu.sem_alloc : memref<!tpu.dma_semaphore, #tpu.memory_space<semaphore_mem>>
      %dma_start3A = arith.constant 0 : i32
      %dma_start3A_63 = tpu.memref_slice %arg12[%add3A_29, %dma_start3A] : memref<10240x128xf32, #tpu.memory_space<vmem_shared>> -> memref<128x128xf32, #tpu.memory_space<vmem_shared>>
      %dma_start3A_64 = arith.constant 0 : i32
      %dma_start3A_65 = tpu.memref_slice %arg12[%add3A_29, %dma_start3A_64] : memref<10240x128xf32, #tpu.memory_space<vmem_shared>> -> memref<128x128xf32, #tpu.memory_space<vmem_shared>>
      tpu.enqueue_dma source(%dma_start3A_65 : memref<128x128xf32, #tpu.memory_space<vmem_shared>>) target(%arg10 : memref<128x128xf32, #tpu.memory_space<vmem>>) target_semaphore(%run_scoped3A : memref<!tpu.dma_semaphore, #tpu.memory_space<semaphore_mem>>)
      %dma_wait3A = arith.constant 0 : i32
      %dma_wait3A_66 = tpu.memref_slice %arg12[%add3A_29, %dma_wait3A] : memref<10240x128xf32, #tpu.memory_space<vmem_shared>> -> memref<128x128xf32, #tpu.memory_space<vmem_shared>>
      %dma_wait3A_67 = arith.constant 0 : i32
      %dma_wait3A_68 = tpu.memref_slice %arg12[%add3A_29, %dma_wait3A_67] : memref<10240x128xf32, #tpu.memory_space<vmem_shared>> -> memref<128x128xf32, #tpu.memory_space<vmem_shared>>
      tpu.wait_dma2 semaphore(%run_scoped3A : memref<!tpu.dma_semaphore, #tpu.memory_space<semaphore_mem>>) src(%dma_wait3A_68 : memref<128x128xf32, #tpu.memory_space<vmem_shared>>) dst(%arg10 : memref<128x128xf32, #tpu.memory_space<vmem>>)
      tpu.yield
    }) : () -> ()
    %mul3A_30 = arith.constant 10240 : i32
    %mul3A_31 = arith.muli %arg0, %mul3A_30 : i32
    %add3A_32 = arith.addi %mul3A_31, %mul3A_9 : i32
    %add3A_33 = arith.constant 0 : i32
    %add3A_34 = arith.addi %add3A_32, %add3A_33 : i32
    "tpu.region"() ({
      %run_scoped3A = tpu.sem_alloc : memref<!tpu.dma_semaphore, #tpu.memory_space<semaphore_mem>>
      %dma_start3A = arith.constant 0 : i32
      %dma_start3A_63 = tpu.memref_slice %arg6[%add3A_34, %dma_start3A] : memref<20480x128xf32, #tpu.memory_space<hbm>> -> memref<128x128xf32, #tpu.memory_space<hbm>>
      %dma_start3A_64 = arith.constant 0 : i32
      %dma_start3A_65 = tpu.memref_slice %arg6[%add3A_34, %dma_start3A_64] : memref<20480x128xf32, #tpu.memory_space<hbm>> -> memref<128x128xf32, #tpu.memory_space<hbm>>
      tpu.enqueue_dma source(%arg10 : memref<128x128xf32, #tpu.memory_space<vmem>>) target(%dma_start3A_65 : memref<128x128xf32, #tpu.memory_space<hbm>>) target_semaphore(%run_scoped3A : memref<!tpu.dma_semaphore, #tpu.memory_space<semaphore_mem>>)
      %dma_wait3A = arith.constant 0 : i32
      %dma_wait3A_66 = tpu.memref_slice %arg6[%add3A_34, %dma_wait3A] : memref<20480x128xf32, #tpu.memory_space<hbm>> -> memref<128x128xf32, #tpu.memory_space<hbm>>
      %dma_wait3A_67 = arith.constant 0 : i32
      %dma_wait3A_68 = tpu.memref_slice %arg6[%add3A_34, %dma_wait3A_67] : memref<20480x128xf32, #tpu.memory_space<hbm>> -> memref<128x128xf32, #tpu.memory_space<hbm>>
      tpu.wait_dma2 semaphore(%run_scoped3A : memref<!tpu.dma_semaphore, #tpu.memory_space<semaphore_mem>>) src(%arg10 : memref<128x128xf32, #tpu.memory_space<vmem>>) dst(%dma_wait3A_68 : memref<128x128xf32, #tpu.memory_space<hbm>>)
      tpu.yield
    }) : () -> ()
    %add3A_35 = arith.constant 128 : i32
    %add3A_36 = arith.addi %mul3A_9, %add3A_35 : i32
    "tpu.region"() ({
      %run_scoped3A = tpu.sem_alloc : memref<!tpu.dma_semaphore, #tpu.memory_space<semaphore_mem>>
      %dma_start3A = arith.constant 0 : i32
      %dma_start3A_63 = tpu.memref_slice %arg12[%add3A_36, %dma_start3A] : memref<10240x128xf32, #tpu.memory_space<vmem_shared>> -> memref<128x128xf32, #tpu.memory_space<vmem_shared>>
      %dma_start3A_64 = arith.constant 0 : i32
      %dma_start3A_65 = tpu.memref_slice %arg12[%add3A_36, %dma_start3A_64] : memref<10240x128xf32, #tpu.memory_space<vmem_shared>> -> memref<128x128xf32, #tpu.memory_space<vmem_shared>>
      tpu.enqueue_dma source(%dma_start3A_65 : memref<128x128xf32, #tpu.memory_space<vmem_shared>>) target(%arg10 : memref<128x128xf32, #tpu.memory_space<vmem>>) target_semaphore(%run_scoped3A : memref<!tpu.dma_semaphore, #tpu.memory_space<semaphore_mem>>)
      %dma_wait3A = arith.constant 0 : i32
      %dma_wait3A_66 = tpu.memref_slice %arg12[%add3A_36, %dma_wait3A] : memref<10240x128xf32, #tpu.memory_space<vmem_shared>> -> memref<128x128xf32, #tpu.memory_space<vmem_shared>>
      %dma_wait3A_67 = arith.constant 0 : i32
      %dma_wait3A_68 = tpu.memref_slice %arg12[%add3A_36, %dma_wait3A_67] : memref<10240x128xf32, #tpu.memory_space<vmem_shared>> -> memref<128x128xf32, #tpu.memory_space<vmem_shared>>
      tpu.wait_dma2 semaphore(%run_scoped3A : memref<!tpu.dma_semaphore, #tpu.memory_space<semaphore_mem>>) src(%dma_wait3A_68 : memref<128x128xf32, #tpu.memory_space<vmem_shared>>) dst(%arg10 : memref<128x128xf32, #tpu.memory_space<vmem>>)
      tpu.yield
    }) : () -> ()
    %mul3A_37 = arith.constant 10240 : i32
    %mul3A_38 = arith.muli %arg0, %mul3A_37 : i32
    %add3A_39 = arith.addi %mul3A_38, %mul3A_9 : i32
    %add3A_40 = arith.constant 128 : i32
    %add3A_41 = arith.addi %add3A_39, %add3A_40 : i32
    "tpu.region"() ({
      %run_scoped3A = tpu.sem_alloc : memref<!tpu.dma_semaphore, #tpu.memory_space<semaphore_mem>>
      %dma_start3A = arith.constant 0 : i32
      %dma_start3A_63 = tpu.memref_slice %arg6[%add3A_41, %dma_start3A] : memref<20480x128xf32, #tpu.memory_space<hbm>> -> memref<128x128xf32, #tpu.memory_space<hbm>>
      %dma_start3A_64 = arith.constant 0 : i32
      %dma_start3A_65 = tpu.memref_slice %arg6[%add3A_41, %dma_start3A_64] : memref<20480x128xf32, #tpu.memory_space<hbm>> -> memref<128x128xf32, #tpu.memory_space<hbm>>
      tpu.enqueue_dma source(%arg10 : memref<128x128xf32, #tpu.memory_space<vmem>>) target(%dma_start3A_65 : memref<128x128xf32, #tpu.memory_space<hbm>>) target_semaphore(%run_scoped3A : memref<!tpu.dma_semaphore, #tpu.memory_space<semaphore_mem>>)
      %dma_wait3A = arith.constant 0 : i32
      %dma_wait3A_66 = tpu.memref_slice %arg6[%add3A_41, %dma_wait3A] : memref<20480x128xf32, #tpu.memory_space<hbm>> -> memref<128x128xf32, #tpu.memory_space<hbm>>
      %dma_wait3A_67 = arith.constant 0 : i32
      %dma_wait3A_68 = tpu.memref_slice %arg6[%add3A_41, %dma_wait3A_67] : memref<20480x128xf32, #tpu.memory_space<hbm>> -> memref<128x128xf32, #tpu.memory_space<hbm>>
      tpu.wait_dma2 semaphore(%run_scoped3A : memref<!tpu.dma_semaphore, #tpu.memory_space<semaphore_mem>>) src(%arg10 : memref<128x128xf32, #tpu.memory_space<vmem>>) dst(%dma_wait3A_68 : memref<128x128xf32, #tpu.memory_space<hbm>>)
      tpu.yield
    }) : () -> ()
    %add3A_42 = arith.constant 256 : i32
    %add3A_43 = arith.addi %mul3A_9, %add3A_42 : i32
    "tpu.region"() ({
      %run_scoped3A = tpu.sem_alloc : memref<!tpu.dma_semaphore, #tpu.memory_space<semaphore_mem>>
      %dma_start3A = arith.constant 0 : i32
      %dma_start3A_63 = tpu.memref_slice %arg12[%add3A_43, %dma_start3A] : memref<10240x128xf32, #tpu.memory_space<vmem_shared>> -> memref<128x128xf32, #tpu.memory_space<vmem_shared>>
      %dma_start3A_64 = arith.constant 0 : i32
      %dma_start3A_65 = tpu.memref_slice %arg12[%add3A_43, %dma_start3A_64] : memref<10240x128xf32, #tpu.memory_space<vmem_shared>> -> memref<128x128xf32, #tpu.memory_space<vmem_shared>>
      tpu.enqueue_dma source(%dma_start3A_65 : memref<128x128xf32, #tpu.memory_space<vmem_shared>>) target(%arg10 : memref<128x128xf32, #tpu.memory_space<vmem>>) target_semaphore(%run_scoped3A : memref<!tpu.dma_semaphore, #tpu.memory_space<semaphore_mem>>)
      %dma_wait3A = arith.constant 0 : i32
      %dma_wait3A_66 = tpu.memref_slice %arg12[%add3A_43, %dma_wait3A] : memref<10240x128xf32, #tpu.memory_space<vmem_shared>> -> memref<128x128xf32, #tpu.memory_space<vmem_shared>>
      %dma_wait3A_67 = arith.constant 0 : i32
      %dma_wait3A_68 = tpu.memref_slice %arg12[%add3A_43, %dma_wait3A_67] : memref<10240x128xf32, #tpu.memory_space<vmem_shared>> -> memref<128x128xf32, #tpu.memory_space<vmem_shared>>
      tpu.wait_dma2 semaphore(%run_scoped3A : memref<!tpu.dma_semaphore, #tpu.memory_space<semaphore_mem>>) src(%dma_wait3A_68 : memref<128x128xf32, #tpu.memory_space<vmem_shared>>) dst(%arg10 : memref<128x128xf32, #tpu.memory_space<vmem>>)
      tpu.yield
    }) : () -> ()
    %mul3A_44 = arith.constant 10240 : i32
    %mul3A_45 = arith.muli %arg0, %mul3A_44 : i32
    %add3A_46 = arith.addi %mul3A_45, %mul3A_9 : i32
    %add3A_47 = arith.constant 256 : i32
    %add3A_48 = arith.addi %add3A_46, %add3A_47 : i32
    "tpu.region"() ({
      %run_scoped3A = tpu.sem_alloc : memref<!tpu.dma_semaphore, #tpu.memory_space<semaphore_mem>>
      %dma_start3A = arith.constant 0 : i32
      %dma_start3A_63 = tpu.memref_slice %arg6[%add3A_48, %dma_start3A] : memref<20480x128xf32, #tpu.memory_space<hbm>> -> memref<128x128xf32, #tpu.memory_space<hbm>>
      %dma_start3A_64 = arith.constant 0 : i32
      %dma_start3A_65 = tpu.memref_slice %arg6[%add3A_48, %dma_start3A_64] : memref<20480x128xf32, #tpu.memory_space<hbm>> -> memref<128x128xf32, #tpu.memory_space<hbm>>
      tpu.enqueue_dma source(%arg10 : memref<128x128xf32, #tpu.memory_space<vmem>>) target(%dma_start3A_65 : memref<128x128xf32, #tpu.memory_space<hbm>>) target_semaphore(%run_scoped3A : memref<!tpu.dma_semaphore, #tpu.memory_space<semaphore_mem>>)
      %dma_wait3A = arith.constant 0 : i32
      %dma_wait3A_66 = tpu.memref_slice %arg6[%add3A_48, %dma_wait3A] : memref<20480x128xf32, #tpu.memory_space<hbm>> -> memref<128x128xf32, #tpu.memory_space<hbm>>
      %dma_wait3A_67 = arith.constant 0 : i32
      %dma_wait3A_68 = tpu.memref_slice %arg6[%add3A_48, %dma_wait3A_67] : memref<20480x128xf32, #tpu.memory_space<hbm>> -> memref<128x128xf32, #tpu.memory_space<hbm>>
      tpu.wait_dma2 semaphore(%run_scoped3A : memref<!tpu.dma_semaphore, #tpu.memory_space<semaphore_mem>>) src(%arg10 : memref<128x128xf32, #tpu.memory_space<vmem>>) dst(%dma_wait3A_68 : memref<128x128xf32, #tpu.memory_space<hbm>>)
      tpu.yield
    }) : () -> ()
    %add3A_49 = arith.constant 384 : i32
    %add3A_50 = arith.addi %mul3A_9, %add3A_49 : i32
    "tpu.region"() ({
      %run_scoped3A = tpu.sem_alloc : memref<!tpu.dma_semaphore, #tpu.memory_space<semaphore_mem>>
      %dma_start3A = arith.constant 0 : i32
      %dma_start3A_63 = tpu.memref_slice %arg12[%add3A_50, %dma_start3A] : memref<10240x128xf32, #tpu.memory_space<vmem_shared>> -> memref<128x128xf32, #tpu.memory_space<vmem_shared>>
      %dma_start3A_64 = arith.constant 0 : i32
      %dma_start3A_65 = tpu.memref_slice %arg12[%add3A_50, %dma_start3A_64] : memref<10240x128xf32, #tpu.memory_space<vmem_shared>> -> memref<128x128xf32, #tpu.memory_space<vmem_shared>>
      tpu.enqueue_dma source(%dma_start3A_65 : memref<128x128xf32, #tpu.memory_space<vmem_shared>>) target(%arg10 : memref<128x128xf32, #tpu.memory_space<vmem>>) target_semaphore(%run_scoped3A : memref<!tpu.dma_semaphore, #tpu.memory_space<semaphore_mem>>)
      %dma_wait3A = arith.constant 0 : i32
      %dma_wait3A_66 = tpu.memref_slice %arg12[%add3A_50, %dma_wait3A] : memref<10240x128xf32, #tpu.memory_space<vmem_shared>> -> memref<128x128xf32, #tpu.memory_space<vmem_shared>>
      %dma_wait3A_67 = arith.constant 0 : i32
      %dma_wait3A_68 = tpu.memref_slice %arg12[%add3A_50, %dma_wait3A_67] : memref<10240x128xf32, #tpu.memory_space<vmem_shared>> -> memref<128x128xf32, #tpu.memory_space<vmem_shared>>
      tpu.wait_dma2 semaphore(%run_scoped3A : memref<!tpu.dma_semaphore, #tpu.memory_space<semaphore_mem>>) src(%dma_wait3A_68 : memref<128x128xf32, #tpu.memory_space<vmem_shared>>) dst(%arg10 : memref<128x128xf32, #tpu.memory_space<vmem>>)
      tpu.yield
    }) : () -> ()
    %mul3A_51 = arith.constant 10240 : i32
    %mul3A_52 = arith.muli %arg0, %mul3A_51 : i32
    %add3A_53 = arith.addi %mul3A_52, %mul3A_9 : i32
    %add3A_54 = arith.constant 384 : i32
    %add3A_55 = arith.addi %add3A_53, %add3A_54 : i32
    "tpu.region"() ({
      %run_scoped3A = tpu.sem_alloc : memref<!tpu.dma_semaphore, #tpu.memory_space<semaphore_mem>>
      %dma_start3A = arith.constant 0 : i32
      %dma_start3A_63 = tpu.memref_slice %arg6[%add3A_55, %dma_start3A] : memref<20480x128xf32, #tpu.memory_space<hbm>> -> memref<128x128xf32, #tpu.memory_space<hbm>>
      %dma_start3A_64 = arith.constant 0 : i32
      %dma_start3A_65 = tpu.memref_slice %arg6[%add3A_55, %dma_start3A_64] : memref<20480x128xf32, #tpu.memory_space<hbm>> -> memref<128x128xf32, #tpu.memory_space<hbm>>
      tpu.enqueue_dma source(%arg10 : memref<128x128xf32, #tpu.memory_space<vmem>>) target(%dma_start3A_65 : memref<128x128xf32, #tpu.memory_space<hbm>>) target_semaphore(%run_scoped3A : memref<!tpu.dma_semaphore, #tpu.memory_space<semaphore_mem>>)
      %dma_wait3A = arith.constant 0 : i32
      %dma_wait3A_66 = tpu.memref_slice %arg6[%add3A_55, %dma_wait3A] : memref<20480x128xf32, #tpu.memory_space<hbm>> -> memref<128x128xf32, #tpu.memory_space<hbm>>
      %dma_wait3A_67 = arith.constant 0 : i32
      %dma_wait3A_68 = tpu.memref_slice %arg6[%add3A_55, %dma_wait3A_67] : memref<20480x128xf32, #tpu.memory_space<hbm>> -> memref<128x128xf32, #tpu.memory_space<hbm>>
      tpu.wait_dma2 semaphore(%run_scoped3A : memref<!tpu.dma_semaphore, #tpu.memory_space<semaphore_mem>>) src(%arg10 : memref<128x128xf32, #tpu.memory_space<vmem>>) dst(%dma_wait3A_68 : memref<128x128xf32, #tpu.memory_space<hbm>>)
      tpu.yield
    }) : () -> ()
    %add3A_56 = arith.constant 512 : i32
    %add3A_57 = arith.addi %mul3A_9, %add3A_56 : i32
    "tpu.region"() ({
      %run_scoped3A = tpu.sem_alloc : memref<!tpu.dma_semaphore, #tpu.memory_space<semaphore_mem>>
      %dma_start3A = arith.constant 0 : i32
      %dma_start3A_63 = tpu.memref_slice %arg12[%add3A_57, %dma_start3A] : memref<10240x128xf32, #tpu.memory_space<vmem_shared>> -> memref<128x128xf32, #tpu.memory_space<vmem_shared>>
      %dma_start3A_64 = arith.constant 0 : i32
      %dma_start3A_65 = tpu.memref_slice %arg12[%add3A_57, %dma_start3A_64] : memref<10240x128xf32, #tpu.memory_space<vmem_shared>> -> memref<128x128xf32, #tpu.memory_space<vmem_shared>>
      tpu.enqueue_dma source(%dma_start3A_65 : memref<128x128xf32, #tpu.memory_space<vmem_shared>>) target(%arg10 : memref<128x128xf32, #tpu.memory_space<vmem>>) target_semaphore(%run_scoped3A : memref<!tpu.dma_semaphore, #tpu.memory_space<semaphore_mem>>)
      %dma_wait3A = arith.constant 0 : i32
      %dma_wait3A_66 = tpu.memref_slice %arg12[%add3A_57, %dma_wait3A] : memref<10240x128xf32, #tpu.memory_space<vmem_shared>> -> memref<128x128xf32, #tpu.memory_space<vmem_shared>>
      %dma_wait3A_67 = arith.constant 0 : i32
      %dma_wait3A_68 = tpu.memref_slice %arg12[%add3A_57, %dma_wait3A_67] : memref<10240x128xf32, #tpu.memory_space<vmem_shared>> -> memref<128x128xf32, #tpu.memory_space<vmem_shared>>
      tpu.wait_dma2 semaphore(%run_scoped3A : memref<!tpu.dma_semaphore, #tpu.memory_space<semaphore_mem>>) src(%dma_wait3A_68 : memref<128x128xf32, #tpu.memory_space<vmem_shared>>) dst(%arg10 : memref<128x128xf32, #tpu.memory_space<vmem>>)
      tpu.yield
    }) : () -> ()
    %mul3A_58 = arith.constant 10240 : i32
    %mul3A_59 = arith.muli %arg0, %mul3A_58 : i32
    %add3A_60 = arith.addi %mul3A_59, %mul3A_9 : i32
    %add3A_61 = arith.constant 512 : i32
    %add3A_62 = arith.addi %add3A_60, %add3A_61 : i32
    "tpu.region"() ({
      %run_scoped3A = tpu.sem_alloc : memref<!tpu.dma_semaphore, #tpu.memory_space<semaphore_mem>>
      %dma_start3A = arith.constant 0 : i32
      %dma_start3A_63 = tpu.memref_slice %arg6[%add3A_62, %dma_start3A] : memref<20480x128xf32, #tpu.memory_space<hbm>> -> memref<128x128xf32, #tpu.memory_space<hbm>>
      %dma_start3A_64 = arith.constant 0 : i32
      %dma_start3A_65 = tpu.memref_slice %arg6[%add3A_62, %dma_start3A_64] : memref<20480x128xf32, #tpu.memory_space<hbm>> -> memref<128x128xf32, #tpu.memory_space<hbm>>
      tpu.enqueue_dma source(%arg10 : memref<128x128xf32, #tpu.memory_space<vmem>>) target(%dma_start3A_65 : memref<128x128xf32, #tpu.memory_space<hbm>>) target_semaphore(%run_scoped3A : memref<!tpu.dma_semaphore, #tpu.memory_space<semaphore_mem>>)
      %dma_wait3A = arith.constant 0 : i32
      %dma_wait3A_66 = tpu.memref_slice %arg6[%add3A_62, %dma_wait3A] : memref<20480x128xf32, #tpu.memory_space<hbm>> -> memref<128x128xf32, #tpu.memory_space<hbm>>
      %dma_wait3A_67 = arith.constant 0 : i32
      %dma_wait3A_68 = tpu.memref_slice %arg6[%add3A_62, %dma_wait3A_67] : memref<20480x128xf32, #tpu.memory_space<hbm>> -> memref<128x128xf32, #tpu.memory_space<hbm>>
      tpu.wait_dma2 semaphore(%run_scoped3A : memref<!tpu.dma_semaphore, #tpu.memory_space<semaphore_mem>>) src(%arg10 : memref<128x128xf32, #tpu.memory_space<vmem>>) dst(%dma_wait3A_68 : memref<128x128xf32, #tpu.memory_space<hbm>>)
      tpu.yield
    }) : () -> ()
    return
  }
}

#map = affine_map<(d0, d1) -> (0, 0)>
#map1 = affine_map<(d0, d1) -> (0)>
module attributes {stable_mosaic.version = 14 : i64} {
  func.func @stage1(%arg0: i32, %arg1: i32, %arg2: memref<10000x128xf32, #tpu.memory_space<hbm>>, %arg3: memref<323584xi32, #tpu.memory_space<hbm>>, %arg4: memref<323584xi32, #tpu.memory_space<hbm>>, %arg5: memref<647168xi32, #tpu.memory_space<hbm>>, %arg6: memref<20480x128xf32, #tpu.memory_space<hbm>>, %arg7: memref<20480xf32, #tpu.memory_space<hbm>>, %arg8: memref<128xi32, #tpu.memory_space<vmem>>, %arg9: memref<128xi32, #tpu.memory_space<vmem>>, %arg10: memref<128x128xf32, #tpu.memory_space<vmem>>, %arg11: memref<128xf32, #tpu.memory_space<vmem>>, %arg12: memref<640xf32, #tpu.memory_space<vmem>>, %arg13: memref<10240x128xf32, #tpu.memory_space<vmem_shared>>, %arg14: memref<10240xf32, #tpu.memory_space<vmem_shared>>, %arg15: memref<!tpu.dma_semaphore, #tpu.memory_space<semaphore_mem>>, %arg16: memref<!tpu.dma_semaphore, #tpu.memory_space<semaphore_mem>>) attributes {dimension_semantics = [#tpu.dimension_semantics<core_parallel>, #tpu.dimension_semantics<subcore_parallel>], iteration_bounds = array<i64: 2, 16>, scalar_prefetch = 0 : i64, scratch_operands = 9 : i64, tpu.core_type = #tpu.core_type<sc_vector_subcore>, window_params = [{transform_indices = #map}, {transform_indices = #map1}, {transform_indices = #map1}, {transform_indices = #map1}, {transform_indices = #map}, {transform_indices = #map1}]} {
    %mul3A = arith.constant 2 : i32
    %mul3A_0 = arith.muli %arg1, %mul3A : i32
    %add3A = arith.addi %mul3A_0, %arg0 : i32
    %broadcast_in_dim3A = arith.constant 0.000000e+00 : f32
    %broadcast_in_dim3A_1 = vector.broadcast %broadcast_in_dim3A : f32 to vector<16xf32>
    %broadcast_in_dim3A_2 = arith.constant 1.000000e+00 : f32
    %broadcast_in_dim3A_3 = vector.broadcast %broadcast_in_dim3A_2 : f32 to vector<16xf32>
    %scan3A = arith.constant 0 : i32
    %scan3A_4 = arith.constant 0 : i32
    %scan3A_5 = arith.constant 128 : i32
    %scan3A_6 = arith.addi %scan3A_4, %scan3A_5 : i32
    %scan3A_7 = arith.constant 1 : i32
    %scan3A_8 = scf.for %scan3A_113 = %scan3A_4 to %scan3A_6 step %scan3A_7 iter_args(%scan3A_114 = %scan3A) -> (i32)  : i32 {
      %swap3A_115 = arith.index_cast %scan3A_113 : i32 to index
      %swap3A_116 = arith.constant 0 : index
      %swap3A_117 = tpu.vector_load %arg10[%swap3A_115, %swap3A_116] {strides = array<i32>} : memref<128x128xf32, #tpu.memory_space<vmem>>, vector<1x16xf32>,
      %swap3A_118 = vector.shape_cast %swap3A_117 : vector<1x16xf32> to vector<16xf32>
      %swap3A_119 = vector.shape_cast %broadcast_in_dim3A_1 : vector<16xf32> to vector<1x16xf32>
      tpu.vector_store %arg10[%swap3A_115, %swap3A_116], %swap3A_119 {strides = array<i32>} : memref<128x128xf32, #tpu.memory_space<vmem>>, vector<1x16xf32>,
      %swap3A_120 = arith.index_cast %scan3A_113 : i32 to index
      %swap3A_121 = arith.constant 16 : index
      %swap3A_122 = tpu.vector_load %arg10[%swap3A_120, %swap3A_121] {strides = array<i32>} : memref<128x128xf32, #tpu.memory_space<vmem>>, vector<1x16xf32>,
      %swap3A_123 = vector.shape_cast %swap3A_122 : vector<1x16xf32> to vector<16xf32>
      %swap3A_124 = vector.shape_cast %broadcast_in_dim3A_1 : vector<16xf32> to vector<1x16xf32>
      tpu.vector_store %arg10[%swap3A_120, %swap3A_121], %swap3A_124 {strides = array<i32>} : memref<128x128xf32, #tpu.memory_space<vmem>>, vector<1x16xf32>,
      %swap3A_125 = arith.index_cast %scan3A_113 : i32 to index
      %swap3A_126 = arith.constant 32 : index
      %swap3A_127 = tpu.vector_load %arg10[%swap3A_125, %swap3A_126] {strides = array<i32>} : memref<128x128xf32, #tpu.memory_space<vmem>>, vector<1x16xf32>,
      %swap3A_128 = vector.shape_cast %swap3A_127 : vector<1x16xf32> to vector<16xf32>
      %swap3A_129 = vector.shape_cast %broadcast_in_dim3A_1 : vector<16xf32> to vector<1x16xf32>
      tpu.vector_store %arg10[%swap3A_125, %swap3A_126], %swap3A_129 {strides = array<i32>} : memref<128x128xf32, #tpu.memory_space<vmem>>, vector<1x16xf32>,
      %swap3A_130 = arith.index_cast %scan3A_113 : i32 to index
      %swap3A_131 = arith.constant 48 : index
      %swap3A_132 = tpu.vector_load %arg10[%swap3A_130, %swap3A_131] {strides = array<i32>} : memref<128x128xf32, #tpu.memory_space<vmem>>, vector<1x16xf32>,
      %swap3A_133 = vector.shape_cast %swap3A_132 : vector<1x16xf32> to vector<16xf32>
      %swap3A_134 = vector.shape_cast %broadcast_in_dim3A_1 : vector<16xf32> to vector<1x16xf32>
      tpu.vector_store %arg10[%swap3A_130, %swap3A_131], %swap3A_134 {strides = array<i32>} : memref<128x128xf32, #tpu.memory_space<vmem>>, vector<1x16xf32>,
      %swap3A_135 = arith.index_cast %scan3A_113 : i32 to index
      %swap3A_136 = arith.constant 64 : index
      %swap3A_137 = tpu.vector_load %arg10[%swap3A_135, %swap3A_136] {strides = array<i32>} : memref<128x128xf32, #tpu.memory_space<vmem>>, vector<1x16xf32>,
      %swap3A_138 = vector.shape_cast %swap3A_137 : vector<1x16xf32> to vector<16xf32>
      %swap3A_139 = vector.shape_cast %broadcast_in_dim3A_1 : vector<16xf32> to vector<1x16xf32>
      tpu.vector_store %arg10[%swap3A_135, %swap3A_136], %swap3A_139 {strides = array<i32>} : memref<128x128xf32, #tpu.memory_space<vmem>>, vector<1x16xf32>,
      %swap3A_140 = arith.index_cast %scan3A_113 : i32 to index
      %swap3A_141 = arith.constant 80 : index
      %swap3A_142 = tpu.vector_load %arg10[%swap3A_140, %swap3A_141] {strides = array<i32>} : memref<128x128xf32, #tpu.memory_space<vmem>>, vector<1x16xf32>,
      %swap3A_143 = vector.shape_cast %swap3A_142 : vector<1x16xf32> to vector<16xf32>
      %swap3A_144 = vector.shape_cast %broadcast_in_dim3A_1 : vector<16xf32> to vector<1x16xf32>
      tpu.vector_store %arg10[%swap3A_140, %swap3A_141], %swap3A_144 {strides = array<i32>} : memref<128x128xf32, #tpu.memory_space<vmem>>, vector<1x16xf32>,
      %swap3A_145 = arith.index_cast %scan3A_113 : i32 to index
      %swap3A_146 = arith.constant 96 : index
      %swap3A_147 = tpu.vector_load %arg10[%swap3A_145, %swap3A_146] {strides = array<i32>} : memref<128x128xf32, #tpu.memory_space<vmem>>, vector<1x16xf32>,
      %swap3A_148 = vector.shape_cast %swap3A_147 : vector<1x16xf32> to vector<16xf32>
      %swap3A_149 = vector.shape_cast %broadcast_in_dim3A_1 : vector<16xf32> to vector<1x16xf32>
      tpu.vector_store %arg10[%swap3A_145, %swap3A_146], %swap3A_149 {strides = array<i32>} : memref<128x128xf32, #tpu.memory_space<vmem>>, vector<1x16xf32>,
      %swap3A_150 = arith.index_cast %scan3A_113 : i32 to index
      %swap3A_151 = arith.constant 112 : index
      %swap3A_152 = tpu.vector_load %arg10[%swap3A_150, %swap3A_151] {strides = array<i32>} : memref<128x128xf32, #tpu.memory_space<vmem>>, vector<1x16xf32>,
      %swap3A_153 = vector.shape_cast %swap3A_152 : vector<1x16xf32> to vector<16xf32>
      %swap3A_154 = vector.shape_cast %broadcast_in_dim3A_1 : vector<16xf32> to vector<1x16xf32>
      tpu.vector_store %arg10[%swap3A_150, %swap3A_151], %swap3A_154 {strides = array<i32>} : memref<128x128xf32, #tpu.memory_space<vmem>>, vector<1x16xf32>,
      %scan3A_155 = arith.constant 0 : i32
      scf.yield %scan3A_155 : i32
    }
    %scan3A_9 = arith.constant 128 : i32
    %swap3A = arith.constant 0 : index
    %swap3A_10 = tpu.vector_load %arg11[%swap3A] {strides = array<i32>} : memref<128xf32, #tpu.memory_space<vmem>>, vector<16xf32>,
    %swap3A_11 = vector.shape_cast %swap3A_10 : vector<16xf32> to vector<16xf32>
    %swap3A_12 = vector.shape_cast %broadcast_in_dim3A_3 : vector<16xf32> to vector<16xf32>
    tpu.vector_store %arg11[%swap3A], %swap3A_12 {strides = array<i32>} : memref<128xf32, #tpu.memory_space<vmem>>, vector<16xf32>,
    %swap3A_13 = arith.constant 16 : index
    %swap3A_14 = tpu.vector_load %arg11[%swap3A_13] {strides = array<i32>} : memref<128xf32, #tpu.memory_space<vmem>>, vector<16xf32>,
    %swap3A_15 = vector.shape_cast %swap3A_14 : vector<16xf32> to vector<16xf32>
    %swap3A_16 = vector.shape_cast %broadcast_in_dim3A_3 : vector<16xf32> to vector<16xf32>
    tpu.vector_store %arg11[%swap3A_13], %swap3A_16 {strides = array<i32>} : memref<128xf32, #tpu.memory_space<vmem>>, vector<16xf32>,
    %swap3A_17 = arith.constant 32 : index
    %swap3A_18 = tpu.vector_load %arg11[%swap3A_17] {strides = array<i32>} : memref<128xf32, #tpu.memory_space<vmem>>, vector<16xf32>,
    %swap3A_19 = vector.shape_cast %swap3A_18 : vector<16xf32> to vector<16xf32>
    %swap3A_20 = vector.shape_cast %broadcast_in_dim3A_3 : vector<16xf32> to vector<16xf32>
    tpu.vector_store %arg11[%swap3A_17], %swap3A_20 {strides = array<i32>} : memref<128xf32, #tpu.memory_space<vmem>>, vector<16xf32>,
    %swap3A_21 = arith.constant 48 : index
    %swap3A_22 = tpu.vector_load %arg11[%swap3A_21] {strides = array<i32>} : memref<128xf32, #tpu.memory_space<vmem>>, vector<16xf32>,
    %swap3A_23 = vector.shape_cast %swap3A_22 : vector<16xf32> to vector<16xf32>
    %swap3A_24 = vector.shape_cast %broadcast_in_dim3A_3 : vector<16xf32> to vector<16xf32>
    tpu.vector_store %arg11[%swap3A_21], %swap3A_24 {strides = array<i32>} : memref<128xf32, #tpu.memory_space<vmem>>, vector<16xf32>,
    %swap3A_25 = arith.constant 64 : index
    %swap3A_26 = tpu.vector_load %arg11[%swap3A_25] {strides = array<i32>} : memref<128xf32, #tpu.memory_space<vmem>>, vector<16xf32>,
    %swap3A_27 = vector.shape_cast %swap3A_26 : vector<16xf32> to vector<16xf32>
    %swap3A_28 = vector.shape_cast %broadcast_in_dim3A_3 : vector<16xf32> to vector<16xf32>
    tpu.vector_store %arg11[%swap3A_25], %swap3A_28 {strides = array<i32>} : memref<128xf32, #tpu.memory_space<vmem>>, vector<16xf32>,
    %swap3A_29 = arith.constant 80 : index
    %swap3A_30 = tpu.vector_load %arg11[%swap3A_29] {strides = array<i32>} : memref<128xf32, #tpu.memory_space<vmem>>, vector<16xf32>,
    %swap3A_31 = vector.shape_cast %swap3A_30 : vector<16xf32> to vector<16xf32>
    %swap3A_32 = vector.shape_cast %broadcast_in_dim3A_3 : vector<16xf32> to vector<16xf32>
    tpu.vector_store %arg11[%swap3A_29], %swap3A_32 {strides = array<i32>} : memref<128xf32, #tpu.memory_space<vmem>>, vector<16xf32>,
    %swap3A_33 = arith.constant 96 : index
    %swap3A_34 = tpu.vector_load %arg11[%swap3A_33] {strides = array<i32>} : memref<128xf32, #tpu.memory_space<vmem>>, vector<16xf32>,
    %swap3A_35 = vector.shape_cast %swap3A_34 : vector<16xf32> to vector<16xf32>
    %swap3A_36 = vector.shape_cast %broadcast_in_dim3A_3 : vector<16xf32> to vector<16xf32>
    tpu.vector_store %arg11[%swap3A_33], %swap3A_36 {strides = array<i32>} : memref<128xf32, #tpu.memory_space<vmem>>, vector<16xf32>,
    %swap3A_37 = arith.constant 112 : index
    %swap3A_38 = tpu.vector_load %arg11[%swap3A_37] {strides = array<i32>} : memref<128xf32, #tpu.memory_space<vmem>>, vector<16xf32>,
    %swap3A_39 = vector.shape_cast %swap3A_38 : vector<16xf32> to vector<16xf32>
    %swap3A_40 = vector.shape_cast %broadcast_in_dim3A_3 : vector<16xf32> to vector<16xf32>
    tpu.vector_store %arg11[%swap3A_37], %swap3A_40 {strides = array<i32>} : memref<128xf32, #tpu.memory_space<vmem>>, vector<16xf32>,
    %scan3A_41 = arith.constant 0 : i32
    %scan3A_42 = arith.constant 0 : i32
    %scan3A_43 = arith.constant 40 : i32
    %scan3A_44 = arith.addi %scan3A_42, %scan3A_43 : i32
    %scan3A_45 = arith.constant 1 : i32
    %scan3A_46 = scf.for %scan3A_113 = %scan3A_42 to %scan3A_44 step %scan3A_45 iter_args(%scan3A_114 = %scan3A_41) -> (i32)  : i32 {
      %mul3A_115 = arith.constant 16 : i32
      %mul3A_116 = arith.muli %scan3A_113, %mul3A_115 : i32
      %swap3A_117 = arith.index_cast %mul3A_116 : i32 to index
      %swap3A_118 = tpu.vector_load %arg12[%swap3A_117] {strides = array<i32>} : memref<640xf32, #tpu.memory_space<vmem>>, vector<16xf32>,
      %swap3A_119 = vector.shape_cast %swap3A_118 : vector<16xf32> to vector<16xf32>
      %swap3A_120 = vector.shape_cast %broadcast_in_dim3A_1 : vector<16xf32> to vector<16xf32>
      tpu.vector_store %arg12[%swap3A_117], %swap3A_120 {strides = array<i32>} : memref<640xf32, #tpu.memory_space<vmem>>, vector<16xf32>,
      %scan3A_121 = arith.constant 0 : i32
      scf.yield %scan3A_121 : i32
    }
    %scan3A_47 = arith.constant 40 : i32
    %mul3A_48 = arith.constant 640 : i32
    %mul3A_49 = arith.muli %arg1, %mul3A_48 : i32
    %add3A_50 = arith.constant 0 : i32
    %add3A_51 = arith.addi %mul3A_49, %add3A_50 : i32
    "tpu.region"() ({
      %run_scoped3A = tpu.sem_alloc : memref<!tpu.dma_semaphore, #tpu.memory_space<semaphore_mem>>
      %dma_start3A = arith.constant 0 : i32
      %dma_start3A_113 = tpu.memref_slice %arg13[%add3A_51, %dma_start3A] : memref<10240x128xf32, #tpu.memory_space<vmem_shared>> -> memref<128x128xf32, #tpu.memory_space<vmem_shared>>
      %dma_start3A_114 = arith.constant 0 : i32
      %dma_start3A_115 = tpu.memref_slice %arg13[%add3A_51, %dma_start3A_114] : memref<10240x128xf32, #tpu.memory_space<vmem_shared>> -> memref<128x128xf32, #tpu.memory_space<vmem_shared>>
      tpu.enqueue_dma source(%arg10 : memref<128x128xf32, #tpu.memory_space<vmem>>) target(%dma_start3A_115 : memref<128x128xf32, #tpu.memory_space<vmem_shared>>) target_semaphore(%run_scoped3A : memref<!tpu.dma_semaphore, #tpu.memory_space<semaphore_mem>>)
      %dma_wait3A = arith.constant 0 : i32
      %dma_wait3A_116 = tpu.memref_slice %arg13[%add3A_51, %dma_wait3A] : memref<10240x128xf32, #tpu.memory_space<vmem_shared>> -> memref<128x128xf32, #tpu.memory_space<vmem_shared>>
      %dma_wait3A_117 = arith.constant 0 : i32
      %dma_wait3A_118 = tpu.memref_slice %arg13[%add3A_51, %dma_wait3A_117] : memref<10240x128xf32, #tpu.memory_space<vmem_shared>> -> memref<128x128xf32, #tpu.memory_space<vmem_shared>>
      tpu.wait_dma2 semaphore(%run_scoped3A : memref<!tpu.dma_semaphore, #tpu.memory_space<semaphore_mem>>) src(%arg10 : memref<128x128xf32, #tpu.memory_space<vmem>>) dst(%dma_wait3A_118 : memref<128x128xf32, #tpu.memory_space<vmem_shared>>)
      tpu.yield
    }) : () -> ()
    %add3A_52 = arith.constant 128 : i32
    %add3A_53 = arith.addi %mul3A_49, %add3A_52 : i32
    "tpu.region"() ({
      %run_scoped3A = tpu.sem_alloc : memref<!tpu.dma_semaphore, #tpu.memory_space<semaphore_mem>>
      %dma_start3A = arith.constant 0 : i32
      %dma_start3A_113 = tpu.memref_slice %arg13[%add3A_53, %dma_start3A] : memref<10240x128xf32, #tpu.memory_space<vmem_shared>> -> memref<128x128xf32, #tpu.memory_space<vmem_shared>>
      %dma_start3A_114 = arith.constant 0 : i32
      %dma_start3A_115 = tpu.memref_slice %arg13[%add3A_53, %dma_start3A_114] : memref<10240x128xf32, #tpu.memory_space<vmem_shared>> -> memref<128x128xf32, #tpu.memory_space<vmem_shared>>
      tpu.enqueue_dma source(%arg10 : memref<128x128xf32, #tpu.memory_space<vmem>>) target(%dma_start3A_115 : memref<128x128xf32, #tpu.memory_space<vmem_shared>>) target_semaphore(%run_scoped3A : memref<!tpu.dma_semaphore, #tpu.memory_space<semaphore_mem>>)
      %dma_wait3A = arith.constant 0 : i32
      %dma_wait3A_116 = tpu.memref_slice %arg13[%add3A_53, %dma_wait3A] : memref<10240x128xf32, #tpu.memory_space<vmem_shared>> -> memref<128x128xf32, #tpu.memory_space<vmem_shared>>
      %dma_wait3A_117 = arith.constant 0 : i32
      %dma_wait3A_118 = tpu.memref_slice %arg13[%add3A_53, %dma_wait3A_117] : memref<10240x128xf32, #tpu.memory_space<vmem_shared>> -> memref<128x128xf32, #tpu.memory_space<vmem_shared>>
      tpu.wait_dma2 semaphore(%run_scoped3A : memref<!tpu.dma_semaphore, #tpu.memory_space<semaphore_mem>>) src(%arg10 : memref<128x128xf32, #tpu.memory_space<vmem>>) dst(%dma_wait3A_118 : memref<128x128xf32, #tpu.memory_space<vmem_shared>>)
      tpu.yield
    }) : () -> ()
    %add3A_54 = arith.constant 256 : i32
    %add3A_55 = arith.addi %mul3A_49, %add3A_54 : i32
    "tpu.region"() ({
      %run_scoped3A = tpu.sem_alloc : memref<!tpu.dma_semaphore, #tpu.memory_space<semaphore_mem>>
      %dma_start3A = arith.constant 0 : i32
      %dma_start3A_113 = tpu.memref_slice %arg13[%add3A_55, %dma_start3A] : memref<10240x128xf32, #tpu.memory_space<vmem_shared>> -> memref<128x128xf32, #tpu.memory_space<vmem_shared>>
      %dma_start3A_114 = arith.constant 0 : i32
      %dma_start3A_115 = tpu.memref_slice %arg13[%add3A_55, %dma_start3A_114] : memref<10240x128xf32, #tpu.memory_space<vmem_shared>> -> memref<128x128xf32, #tpu.memory_space<vmem_shared>>
      tpu.enqueue_dma source(%arg10 : memref<128x128xf32, #tpu.memory_space<vmem>>) target(%dma_start3A_115 : memref<128x128xf32, #tpu.memory_space<vmem_shared>>) target_semaphore(%run_scoped3A : memref<!tpu.dma_semaphore, #tpu.memory_space<semaphore_mem>>)
      %dma_wait3A = arith.constant 0 : i32
      %dma_wait3A_116 = tpu.memref_slice %arg13[%add3A_55, %dma_wait3A] : memref<10240x128xf32, #tpu.memory_space<vmem_shared>> -> memref<128x128xf32, #tpu.memory_space<vmem_shared>>
      %dma_wait3A_117 = arith.constant 0 : i32
      %dma_wait3A_118 = tpu.memref_slice %arg13[%add3A_55, %dma_wait3A_117] : memref<10240x128xf32, #tpu.memory_space<vmem_shared>> -> memref<128x128xf32, #tpu.memory_space<vmem_shared>>
      tpu.wait_dma2 semaphore(%run_scoped3A : memref<!tpu.dma_semaphore, #tpu.memory_space<semaphore_mem>>) src(%arg10 : memref<128x128xf32, #tpu.memory_space<vmem>>) dst(%dma_wait3A_118 : memref<128x128xf32, #tpu.memory_space<vmem_shared>>)
      tpu.yield
    }) : () -> ()
    %add3A_56 = arith.constant 384 : i32
    %add3A_57 = arith.addi %mul3A_49, %add3A_56 : i32
    "tpu.region"() ({
      %run_scoped3A = tpu.sem_alloc : memref<!tpu.dma_semaphore, #tpu.memory_space<semaphore_mem>>
      %dma_start3A = arith.constant 0 : i32
      %dma_start3A_113 = tpu.memref_slice %arg13[%add3A_57, %dma_start3A] : memref<10240x128xf32, #tpu.memory_space<vmem_shared>> -> memref<128x128xf32, #tpu.memory_space<vmem_shared>>
      %dma_start3A_114 = arith.constant 0 : i32
      %dma_start3A_115 = tpu.memref_slice %arg13[%add3A_57, %dma_start3A_114] : memref<10240x128xf32, #tpu.memory_space<vmem_shared>> -> memref<128x128xf32, #tpu.memory_space<vmem_shared>>
      tpu.enqueue_dma source(%arg10 : memref<128x128xf32, #tpu.memory_space<vmem>>) target(%dma_start3A_115 : memref<128x128xf32, #tpu.memory_space<vmem_shared>>) target_semaphore(%run_scoped3A : memref<!tpu.dma_semaphore, #tpu.memory_space<semaphore_mem>>)
      %dma_wait3A = arith.constant 0 : i32
      %dma_wait3A_116 = tpu.memref_slice %arg13[%add3A_57, %dma_wait3A] : memref<10240x128xf32, #tpu.memory_space<vmem_shared>> -> memref<128x128xf32, #tpu.memory_space<vmem_shared>>
      %dma_wait3A_117 = arith.constant 0 : i32
      %dma_wait3A_118 = tpu.memref_slice %arg13[%add3A_57, %dma_wait3A_117] : memref<10240x128xf32, #tpu.memory_space<vmem_shared>> -> memref<128x128xf32, #tpu.memory_space<vmem_shared>>
      tpu.wait_dma2 semaphore(%run_scoped3A : memref<!tpu.dma_semaphore, #tpu.memory_space<semaphore_mem>>) src(%arg10 : memref<128x128xf32, #tpu.memory_space<vmem>>) dst(%dma_wait3A_118 : memref<128x128xf32, #tpu.memory_space<vmem_shared>>)
      tpu.yield
    }) : () -> ()
    %add3A_58 = arith.constant 512 : i32
    %add3A_59 = arith.addi %mul3A_49, %add3A_58 : i32
    "tpu.region"() ({
      %run_scoped3A = tpu.sem_alloc : memref<!tpu.dma_semaphore, #tpu.memory_space<semaphore_mem>>
      %dma_start3A = arith.constant 0 : i32
      %dma_start3A_113 = tpu.memref_slice %arg13[%add3A_59, %dma_start3A] : memref<10240x128xf32, #tpu.memory_space<vmem_shared>> -> memref<128x128xf32, #tpu.memory_space<vmem_shared>>
      %dma_start3A_114 = arith.constant 0 : i32
      %dma_start3A_115 = tpu.memref_slice %arg13[%add3A_59, %dma_start3A_114] : memref<10240x128xf32, #tpu.memory_space<vmem_shared>> -> memref<128x128xf32, #tpu.memory_space<vmem_shared>>
      tpu.enqueue_dma source(%arg10 : memref<128x128xf32, #tpu.memory_space<vmem>>) target(%dma_start3A_115 : memref<128x128xf32, #tpu.memory_space<vmem_shared>>) target_semaphore(%run_scoped3A : memref<!tpu.dma_semaphore, #tpu.memory_space<semaphore_mem>>)
      %dma_wait3A = arith.constant 0 : i32
      %dma_wait3A_116 = tpu.memref_slice %arg13[%add3A_59, %dma_wait3A] : memref<10240x128xf32, #tpu.memory_space<vmem_shared>> -> memref<128x128xf32, #tpu.memory_space<vmem_shared>>
      %dma_wait3A_117 = arith.constant 0 : i32
      %dma_wait3A_118 = tpu.memref_slice %arg13[%add3A_59, %dma_wait3A_117] : memref<10240x128xf32, #tpu.memory_space<vmem_shared>> -> memref<128x128xf32, #tpu.memory_space<vmem_shared>>
      tpu.wait_dma2 semaphore(%run_scoped3A : memref<!tpu.dma_semaphore, #tpu.memory_space<semaphore_mem>>) src(%arg10 : memref<128x128xf32, #tpu.memory_space<vmem>>) dst(%dma_wait3A_118 : memref<128x128xf32, #tpu.memory_space<vmem_shared>>)
      tpu.yield
    }) : () -> ()
    "tpu.region"() ({
      %run_scoped3A = tpu.sem_alloc : memref<!tpu.dma_semaphore, #tpu.memory_space<semaphore_mem>>
      %dma_start3A = tpu.memref_slice %arg14[%mul3A_49] : memref<10240xf32, #tpu.memory_space<vmem_shared>> -> memref<640xf32, #tpu.memory_space<vmem_shared>>
      %dma_start3A_113 = tpu.memref_slice %arg14[%mul3A_49] : memref<10240xf32, #tpu.memory_space<vmem_shared>> -> memref<640xf32, #tpu.memory_space<vmem_shared>>
      tpu.enqueue_dma source(%arg12 : memref<640xf32, #tpu.memory_space<vmem>>) target(%dma_start3A_113 : memref<640xf32, #tpu.memory_space<vmem_shared>>) target_semaphore(%run_scoped3A : memref<!tpu.dma_semaphore, #tpu.memory_space<semaphore_mem>>)
      %dma_wait3A = tpu.memref_slice %arg14[%mul3A_49] : memref<10240xf32, #tpu.memory_space<vmem_shared>> -> memref<640xf32, #tpu.memory_space<vmem_shared>>
      %dma_wait3A_114 = tpu.memref_slice %arg14[%mul3A_49] : memref<10240xf32, #tpu.memory_space<vmem_shared>> -> memref<640xf32, #tpu.memory_space<vmem_shared>>
      tpu.wait_dma2 semaphore(%run_scoped3A : memref<!tpu.dma_semaphore, #tpu.memory_space<semaphore_mem>>) src(%arg12 : memref<640xf32, #tpu.memory_space<vmem>>) dst(%dma_wait3A_114 : memref<640xf32, #tpu.memory_space<vmem_shared>>)
      tpu.yield
    }) : () -> ()
    %barrier3A = arith.constant 0 : index
    tpu.barrier barrier_id(%barrier3A)
    %scan3A_60 = arith.constant 0 : i32
    %scan3A_61 = arith.constant 0 : i32
    %scan3A_62 = arith.constant 79 : i32
    %scan3A_63 = arith.addi %scan3A_61, %scan3A_62 : i32
    %scan3A_64 = arith.constant 1 : i32
    %scan3A_65 = scf.for %scan3A_113 = %scan3A_61 to %scan3A_63 step %scan3A_64 iter_args(%scan3A_114 = %scan3A_60) -> (i32)  : i32 {
      %mul3A_115 = arith.constant 10112 : i32
      %mul3A_116 = arith.muli %add3A, %mul3A_115 : i32
      %mul3A_117 = arith.constant 128 : i32
      %mul3A_118 = arith.muli %scan3A_113, %mul3A_117 : i32
      %add3A_119 = arith.addi %mul3A_116, %mul3A_118 : i32
      %dma_start3A = tpu.memref_slice %arg3[%add3A_119] : memref<323584xi32, #tpu.memory_space<hbm>> -> memref<128xi32, #tpu.memory_space<hbm>>
      %dma_start3A_120 = tpu.memref_slice %arg3[%add3A_119] : memref<323584xi32, #tpu.memory_space<hbm>> -> memref<128xi32, #tpu.memory_space<hbm>>
      tpu.enqueue_dma source(%dma_start3A_120 : memref<128xi32, #tpu.memory_space<hbm>>) target(%arg8 : memref<128xi32, #tpu.memory_space<vmem>>) target_semaphore(%arg16 : memref<!tpu.dma_semaphore, #tpu.memory_space<semaphore_mem>>)
      %dma_start3A_121 = tpu.memref_slice %arg4[%add3A_119] : memref<323584xi32, #tpu.memory_space<hbm>> -> memref<128xi32, #tpu.memory_space<hbm>>
      %dma_start3A_122 = tpu.memref_slice %arg4[%add3A_119] : memref<323584xi32, #tpu.memory_space<hbm>> -> memref<128xi32, #tpu.memory_space<hbm>>
      tpu.enqueue_dma source(%dma_start3A_122 : memref<128xi32, #tpu.memory_space<hbm>>) target(%arg9 : memref<128xi32, #tpu.memory_space<vmem>>) target_semaphore(%arg16 : memref<!tpu.dma_semaphore, #tpu.memory_space<semaphore_mem>>)
      %dma_wait3A = tpu.memref_slice %arg3[%add3A_119] : memref<323584xi32, #tpu.memory_space<hbm>> -> memref<128xi32, #tpu.memory_space<hbm>>
      %dma_wait3A_123 = tpu.memref_slice %arg3[%add3A_119] : memref<323584xi32, #tpu.memory_space<hbm>> -> memref<128xi32, #tpu.memory_space<hbm>>
      tpu.wait_dma2 semaphore(%arg16 : memref<!tpu.dma_semaphore, #tpu.memory_space<semaphore_mem>>) src(%dma_wait3A_123 : memref<128xi32, #tpu.memory_space<hbm>>) dst(%arg8 : memref<128xi32, #tpu.memory_space<vmem>>)
      %dma_wait3A_124 = tpu.memref_slice %arg4[%add3A_119] : memref<323584xi32, #tpu.memory_space<hbm>> -> memref<128xi32, #tpu.memory_space<hbm>>
      %dma_wait3A_125 = tpu.memref_slice %arg4[%add3A_119] : memref<323584xi32, #tpu.memory_space<hbm>> -> memref<128xi32, #tpu.memory_space<hbm>>
      tpu.wait_dma2 semaphore(%arg16 : memref<!tpu.dma_semaphore, #tpu.memory_space<semaphore_mem>>) src(%dma_wait3A_125 : memref<128xi32, #tpu.memory_space<hbm>>) dst(%arg9 : memref<128xi32, #tpu.memory_space<vmem>>)
      %dma_start3A_126 = arith.constant 0 : i32
      %dma_start3A_127 = arith.constant 0 : i32
      %dma_start3A_128 = tpu.memref_slice %arg2[%dma_start3A_126, %dma_start3A_127] : memref<10000x128xf32, #tpu.memory_space<hbm>> -> memref<10000x128xf32, #tpu.memory_space<hbm>>
      tpu.enqueue_indirect_dma source(%dma_start3A_128 : memref<10000x128xf32, #tpu.memory_space<hbm>>) target(%arg10 : memref<128x128xf32, #tpu.memory_space<vmem>>) offsets(%arg8 : memref<128xi32, #tpu.memory_space<vmem>>) semaphore(%arg15 : memref<!tpu.dma_semaphore, #tpu.memory_space<semaphore_mem>>)
      %dma_wait3A_129 = arith.constant 0 : i32
      %dma_wait3A_130 = arith.constant 0 : i32
      %dma_wait3A_131 = tpu.memref_slice %arg2[%dma_wait3A_129, %dma_wait3A_130] : memref<10000x128xf32, #tpu.memory_space<hbm>> -> memref<10000x128xf32, #tpu.memory_space<hbm>>
      tpu.wait_indirect_dma semaphore(%arg15 : memref<!tpu.dma_semaphore, #tpu.memory_space<semaphore_mem>>) src(%dma_wait3A_131 : memref<10000x128xf32, #tpu.memory_space<hbm>>) dst(%arg10 : memref<128x128xf32, #tpu.memory_space<vmem>>)
      "tpu.region"() ({
        %run_scoped3A = tpu.sem_alloc : memref<!tpu.dma_semaphore, #tpu.memory_space<semaphore_mem>>
        %dma_start3A_133 = arith.constant 0 : i32
        %dma_start3A_134 = arith.constant 0 : i32
        %dma_start3A_135 = tpu.memref_slice %arg13[%dma_start3A_133, %dma_start3A_134] : memref<10240x128xf32, #tpu.memory_space<vmem_shared>> -> memref<10240x128xf32, #tpu.memory_space<vmem_shared>>
        tpu.enqueue_indirect_dma source(%arg10 : memref<128x128xf32, #tpu.memory_space<vmem>>) target(%dma_start3A_135 : memref<10240x128xf32, #tpu.memory_space<vmem_shared>>) offsets(%arg9 : memref<128xi32, #tpu.memory_space<vmem>>) semaphore(%run_scoped3A : memref<!tpu.dma_semaphore, #tpu.memory_space<semaphore_mem>>) {add = true}
        %dma_wait3A_136 = arith.constant 0 : i32
        %dma_wait3A_137 = arith.constant 0 : i32
        %dma_wait3A_138 = tpu.memref_slice %arg13[%dma_wait3A_136, %dma_wait3A_137] : memref<10240x128xf32, #tpu.memory_space<vmem_shared>> -> memref<10240x128xf32, #tpu.memory_space<vmem_shared>>
        tpu.wait_indirect_dma semaphore(%run_scoped3A : memref<!tpu.dma_semaphore, #tpu.memory_space<semaphore_mem>>) src(%arg10 : memref<128x128xf32, #tpu.memory_space<vmem>>) dst(%dma_wait3A_138 : memref<10240x128xf32, #tpu.memory_space<vmem_shared>>)
        tpu.yield
      }) : () -> ()
      %scan3A_132 = arith.constant 0 : i32
      scf.yield %scan3A_132 : i32
    }
    %scan3A_66 = arith.constant 79 : i32
    %scan3A_67 = arith.constant 0 : i32
    %scan3A_68 = arith.constant 0 : i32
    %scan3A_69 = arith.constant 158 : i32
    %scan3A_70 = arith.addi %scan3A_68, %scan3A_69 : i32
    %scan3A_71 = arith.constant 1 : i32
    %scan3A_72 = scf.for %scan3A_113 = %scan3A_68 to %scan3A_70 step %scan3A_71 iter_args(%scan3A_114 = %scan3A_67) -> (i32)  : i32 {
      %mul3A_115 = arith.constant 323584 : i32
      %mul3A_116 = arith.muli %arg0, %mul3A_115 : i32
      %mul3A_117 = arith.constant 20224 : i32
      %mul3A_118 = arith.muli %arg1, %mul3A_117 : i32
      %add3A_119 = arith.addi %mul3A_116, %mul3A_118 : i32
      %mul3A_120 = arith.constant 128 : i32
      %mul3A_121 = arith.muli %scan3A_113, %mul3A_120 : i32
      %add3A_122 = arith.addi %add3A_119, %mul3A_121 : i32
      "tpu.region"() ({
        %run_scoped3A = tpu.sem_alloc : memref<!tpu.dma_semaphore, #tpu.memory_space<semaphore_mem>>
        %dma_start3A = tpu.memref_slice %arg5[%add3A_122] : memref<647168xi32, #tpu.memory_space<hbm>> -> memref<128xi32, #tpu.memory_space<hbm>>
        %dma_start3A_124 = tpu.memref_slice %arg5[%add3A_122] : memref<647168xi32, #tpu.memory_space<hbm>> -> memref<128xi32, #tpu.memory_space<hbm>>
        tpu.enqueue_dma source(%dma_start3A_124 : memref<128xi32, #tpu.memory_space<hbm>>) target(%arg9 : memref<128xi32, #tpu.memory_space<vmem>>) target_semaphore(%run_scoped3A : memref<!tpu.dma_semaphore, #tpu.memory_space<semaphore_mem>>)
        %dma_wait3A = tpu.memref_slice %arg5[%add3A_122] : memref<647168xi32, #tpu.memory_space<hbm>> -> memref<128xi32, #tpu.memory_space<hbm>>
        %dma_wait3A_125 = tpu.memref_slice %arg5[%add3A_122] : memref<647168xi32, #tpu.memory_space<hbm>> -> memref<128xi32, #tpu.memory_space<hbm>>
        tpu.wait_dma2 semaphore(%run_scoped3A : memref<!tpu.dma_semaphore, #tpu.memory_space<semaphore_mem>>) src(%dma_wait3A_125 : memref<128xi32, #tpu.memory_space<hbm>>) dst(%arg9 : memref<128xi32, #tpu.memory_space<vmem>>)
        tpu.yield
      }) : () -> ()
      "tpu.region"() ({
        %run_scoped3A = tpu.sem_alloc : memref<!tpu.dma_semaphore, #tpu.memory_space<semaphore_mem>>
        %dma_start3A = arith.constant 0 : i32
        %dma_start3A_124 = tpu.memref_slice %arg14[%dma_start3A] : memref<10240xf32, #tpu.memory_space<vmem_shared>> -> memref<10240xf32, #tpu.memory_space<vmem_shared>>
        tpu.enqueue_indirect_dma source(%arg11 : memref<128xf32, #tpu.memory_space<vmem>>) target(%dma_start3A_124 : memref<10240xf32, #tpu.memory_space<vmem_shared>>) offsets(%arg9 : memref<128xi32, #tpu.memory_space<vmem>>) semaphore(%run_scoped3A : memref<!tpu.dma_semaphore, #tpu.memory_space<semaphore_mem>>) {add = true}
        %dma_wait3A = arith.constant 0 : i32
        %dma_wait3A_125 = tpu.memref_slice %arg14[%dma_wait3A] : memref<10240xf32, #tpu.memory_space<vmem_shared>> -> memref<10240xf32, #tpu.memory_space<vmem_shared>>
        tpu.wait_indirect_dma semaphore(%run_scoped3A : memref<!tpu.dma_semaphore, #tpu.memory_space<semaphore_mem>>) src(%arg11 : memref<128xf32, #tpu.memory_space<vmem>>) dst(%dma_wait3A_125 : memref<10240xf32, #tpu.memory_space<vmem_shared>>)
        tpu.yield
      }) : () -> ()
      %scan3A_123 = arith.constant 0 : i32
      scf.yield %scan3A_123 : i32
    }
    %scan3A_73 = arith.constant 158 : i32
    %barrier3A_74 = arith.constant 0 : index
    tpu.barrier barrier_id(%barrier3A_74)
    %add3A_75 = arith.constant 0 : i32
    %add3A_76 = arith.addi %mul3A_49, %add3A_75 : i32
    "tpu.region"() ({
      %run_scoped3A = tpu.sem_alloc : memref<!tpu.dma_semaphore, #tpu.memory_space<semaphore_mem>>
      %dma_start3A = arith.constant 0 : i32
      %dma_start3A_113 = tpu.memref_slice %arg13[%add3A_76, %dma_start3A] : memref<10240x128xf32, #tpu.memory_space<vmem_shared>> -> memref<128x128xf32, #tpu.memory_space<vmem_shared>>
      %dma_start3A_114 = arith.constant 0 : i32
      %dma_start3A_115 = tpu.memref_slice %arg13[%add3A_76, %dma_start3A_114] : memref<10240x128xf32, #tpu.memory_space<vmem_shared>> -> memref<128x128xf32, #tpu.memory_space<vmem_shared>>
      tpu.enqueue_dma source(%dma_start3A_115 : memref<128x128xf32, #tpu.memory_space<vmem_shared>>) target(%arg10 : memref<128x128xf32, #tpu.memory_space<vmem>>) target_semaphore(%run_scoped3A : memref<!tpu.dma_semaphore, #tpu.memory_space<semaphore_mem>>)
      %dma_wait3A = arith.constant 0 : i32
      %dma_wait3A_116 = tpu.memref_slice %arg13[%add3A_76, %dma_wait3A] : memref<10240x128xf32, #tpu.memory_space<vmem_shared>> -> memref<128x128xf32, #tpu.memory_space<vmem_shared>>
      %dma_wait3A_117 = arith.constant 0 : i32
      %dma_wait3A_118 = tpu.memref_slice %arg13[%add3A_76, %dma_wait3A_117] : memref<10240x128xf32, #tpu.memory_space<vmem_shared>> -> memref<128x128xf32, #tpu.memory_space<vmem_shared>>
      tpu.wait_dma2 semaphore(%run_scoped3A : memref<!tpu.dma_semaphore, #tpu.memory_space<semaphore_mem>>) src(%dma_wait3A_118 : memref<128x128xf32, #tpu.memory_space<vmem_shared>>) dst(%arg10 : memref<128x128xf32, #tpu.memory_space<vmem>>)
      tpu.yield
    }) : () -> ()
    %mul3A_77 = arith.constant 10240 : i32
    %mul3A_78 = arith.muli %arg0, %mul3A_77 : i32
    %add3A_79 = arith.addi %mul3A_78, %mul3A_49 : i32
    %add3A_80 = arith.constant 0 : i32
    %add3A_81 = arith.addi %add3A_79, %add3A_80 : i32
    "tpu.region"() ({
      %run_scoped3A = tpu.sem_alloc : memref<!tpu.dma_semaphore, #tpu.memory_space<semaphore_mem>>
      %dma_start3A = arith.constant 0 : i32
      %dma_start3A_113 = tpu.memref_slice %arg6[%add3A_81, %dma_start3A] : memref<20480x128xf32, #tpu.memory_space<hbm>> -> memref<128x128xf32, #tpu.memory_space<hbm>>
      %dma_start3A_114 = arith.constant 0 : i32
      %dma_start3A_115 = tpu.memref_slice %arg6[%add3A_81, %dma_start3A_114] : memref<20480x128xf32, #tpu.memory_space<hbm>> -> memref<128x128xf32, #tpu.memory_space<hbm>>
      tpu.enqueue_dma source(%arg10 : memref<128x128xf32, #tpu.memory_space<vmem>>) target(%dma_start3A_115 : memref<128x128xf32, #tpu.memory_space<hbm>>) target_semaphore(%run_scoped3A : memref<!tpu.dma_semaphore, #tpu.memory_space<semaphore_mem>>)
      %dma_wait3A = arith.constant 0 : i32
      %dma_wait3A_116 = tpu.memref_slice %arg6[%add3A_81, %dma_wait3A] : memref<20480x128xf32, #tpu.memory_space<hbm>> -> memref<128x128xf32, #tpu.memory_space<hbm>>
      %dma_wait3A_117 = arith.constant 0 : i32
      %dma_wait3A_118 = tpu.memref_slice %arg6[%add3A_81, %dma_wait3A_117] : memref<20480x128xf32, #tpu.memory_space<hbm>> -> memref<128x128xf32, #tpu.memory_space<hbm>>
      tpu.wait_dma2 semaphore(%run_scoped3A : memref<!tpu.dma_semaphore, #tpu.memory_space<semaphore_mem>>) src(%arg10 : memref<128x128xf32, #tpu.memory_space<vmem>>) dst(%dma_wait3A_118 : memref<128x128xf32, #tpu.memory_space<hbm>>)
      tpu.yield
    }) : () -> ()
    %add3A_82 = arith.constant 128 : i32
    %add3A_83 = arith.addi %mul3A_49, %add3A_82 : i32
    "tpu.region"() ({
      %run_scoped3A = tpu.sem_alloc : memref<!tpu.dma_semaphore, #tpu.memory_space<semaphore_mem>>
      %dma_start3A = arith.constant 0 : i32
      %dma_start3A_113 = tpu.memref_slice %arg13[%add3A_83, %dma_start3A] : memref<10240x128xf32, #tpu.memory_space<vmem_shared>> -> memref<128x128xf32, #tpu.memory_space<vmem_shared>>
      %dma_start3A_114 = arith.constant 0 : i32
      %dma_start3A_115 = tpu.memref_slice %arg13[%add3A_83, %dma_start3A_114] : memref<10240x128xf32, #tpu.memory_space<vmem_shared>> -> memref<128x128xf32, #tpu.memory_space<vmem_shared>>
      tpu.enqueue_dma source(%dma_start3A_115 : memref<128x128xf32, #tpu.memory_space<vmem_shared>>) target(%arg10 : memref<128x128xf32, #tpu.memory_space<vmem>>) target_semaphore(%run_scoped3A : memref<!tpu.dma_semaphore, #tpu.memory_space<semaphore_mem>>)
      %dma_wait3A = arith.constant 0 : i32
      %dma_wait3A_116 = tpu.memref_slice %arg13[%add3A_83, %dma_wait3A] : memref<10240x128xf32, #tpu.memory_space<vmem_shared>> -> memref<128x128xf32, #tpu.memory_space<vmem_shared>>
      %dma_wait3A_117 = arith.constant 0 : i32
      %dma_wait3A_118 = tpu.memref_slice %arg13[%add3A_83, %dma_wait3A_117] : memref<10240x128xf32, #tpu.memory_space<vmem_shared>> -> memref<128x128xf32, #tpu.memory_space<vmem_shared>>
      tpu.wait_dma2 semaphore(%run_scoped3A : memref<!tpu.dma_semaphore, #tpu.memory_space<semaphore_mem>>) src(%dma_wait3A_118 : memref<128x128xf32, #tpu.memory_space<vmem_shared>>) dst(%arg10 : memref<128x128xf32, #tpu.memory_space<vmem>>)
      tpu.yield
    }) : () -> ()
    %mul3A_84 = arith.constant 10240 : i32
    %mul3A_85 = arith.muli %arg0, %mul3A_84 : i32
    %add3A_86 = arith.addi %mul3A_85, %mul3A_49 : i32
    %add3A_87 = arith.constant 128 : i32
    %add3A_88 = arith.addi %add3A_86, %add3A_87 : i32
    "tpu.region"() ({
      %run_scoped3A = tpu.sem_alloc : memref<!tpu.dma_semaphore, #tpu.memory_space<semaphore_mem>>
      %dma_start3A = arith.constant 0 : i32
      %dma_start3A_113 = tpu.memref_slice %arg6[%add3A_88, %dma_start3A] : memref<20480x128xf32, #tpu.memory_space<hbm>> -> memref<128x128xf32, #tpu.memory_space<hbm>>
      %dma_start3A_114 = arith.constant 0 : i32
      %dma_start3A_115 = tpu.memref_slice %arg6[%add3A_88, %dma_start3A_114] : memref<20480x128xf32, #tpu.memory_space<hbm>> -> memref<128x128xf32, #tpu.memory_space<hbm>>
      tpu.enqueue_dma source(%arg10 : memref<128x128xf32, #tpu.memory_space<vmem>>) target(%dma_start3A_115 : memref<128x128xf32, #tpu.memory_space<hbm>>) target_semaphore(%run_scoped3A : memref<!tpu.dma_semaphore, #tpu.memory_space<semaphore_mem>>)
      %dma_wait3A = arith.constant 0 : i32
      %dma_wait3A_116 = tpu.memref_slice %arg6[%add3A_88, %dma_wait3A] : memref<20480x128xf32, #tpu.memory_space<hbm>> -> memref<128x128xf32, #tpu.memory_space<hbm>>
      %dma_wait3A_117 = arith.constant 0 : i32
      %dma_wait3A_118 = tpu.memref_slice %arg6[%add3A_88, %dma_wait3A_117] : memref<20480x128xf32, #tpu.memory_space<hbm>> -> memref<128x128xf32, #tpu.memory_space<hbm>>
      tpu.wait_dma2 semaphore(%run_scoped3A : memref<!tpu.dma_semaphore, #tpu.memory_space<semaphore_mem>>) src(%arg10 : memref<128x128xf32, #tpu.memory_space<vmem>>) dst(%dma_wait3A_118 : memref<128x128xf32, #tpu.memory_space<hbm>>)
      tpu.yield
    }) : () -> ()
    %add3A_89 = arith.constant 256 : i32
    %add3A_90 = arith.addi %mul3A_49, %add3A_89 : i32
    "tpu.region"() ({
      %run_scoped3A = tpu.sem_alloc : memref<!tpu.dma_semaphore, #tpu.memory_space<semaphore_mem>>
      %dma_start3A = arith.constant 0 : i32
      %dma_start3A_113 = tpu.memref_slice %arg13[%add3A_90, %dma_start3A] : memref<10240x128xf32, #tpu.memory_space<vmem_shared>> -> memref<128x128xf32, #tpu.memory_space<vmem_shared>>
      %dma_start3A_114 = arith.constant 0 : i32
      %dma_start3A_115 = tpu.memref_slice %arg13[%add3A_90, %dma_start3A_114] : memref<10240x128xf32, #tpu.memory_space<vmem_shared>> -> memref<128x128xf32, #tpu.memory_space<vmem_shared>>
      tpu.enqueue_dma source(%dma_start3A_115 : memref<128x128xf32, #tpu.memory_space<vmem_shared>>) target(%arg10 : memref<128x128xf32, #tpu.memory_space<vmem>>) target_semaphore(%run_scoped3A : memref<!tpu.dma_semaphore, #tpu.memory_space<semaphore_mem>>)
      %dma_wait3A = arith.constant 0 : i32
      %dma_wait3A_116 = tpu.memref_slice %arg13[%add3A_90, %dma_wait3A] : memref<10240x128xf32, #tpu.memory_space<vmem_shared>> -> memref<128x128xf32, #tpu.memory_space<vmem_shared>>
      %dma_wait3A_117 = arith.constant 0 : i32
      %dma_wait3A_118 = tpu.memref_slice %arg13[%add3A_90, %dma_wait3A_117] : memref<10240x128xf32, #tpu.memory_space<vmem_shared>> -> memref<128x128xf32, #tpu.memory_space<vmem_shared>>
      tpu.wait_dma2 semaphore(%run_scoped3A : memref<!tpu.dma_semaphore, #tpu.memory_space<semaphore_mem>>) src(%dma_wait3A_118 : memref<128x128xf32, #tpu.memory_space<vmem_shared>>) dst(%arg10 : memref<128x128xf32, #tpu.memory_space<vmem>>)
      tpu.yield
    }) : () -> ()
    %mul3A_91 = arith.constant 10240 : i32
    %mul3A_92 = arith.muli %arg0, %mul3A_91 : i32
    %add3A_93 = arith.addi %mul3A_92, %mul3A_49 : i32
    %add3A_94 = arith.constant 256 : i32
    %add3A_95 = arith.addi %add3A_93, %add3A_94 : i32
    "tpu.region"() ({
      %run_scoped3A = tpu.sem_alloc : memref<!tpu.dma_semaphore, #tpu.memory_space<semaphore_mem>>
      %dma_start3A = arith.constant 0 : i32
      %dma_start3A_113 = tpu.memref_slice %arg6[%add3A_95, %dma_start3A] : memref<20480x128xf32, #tpu.memory_space<hbm>> -> memref<128x128xf32, #tpu.memory_space<hbm>>
      %dma_start3A_114 = arith.constant 0 : i32
      %dma_start3A_115 = tpu.memref_slice %arg6[%add3A_95, %dma_start3A_114] : memref<20480x128xf32, #tpu.memory_space<hbm>> -> memref<128x128xf32, #tpu.memory_space<hbm>>
      tpu.enqueue_dma source(%arg10 : memref<128x128xf32, #tpu.memory_space<vmem>>) target(%dma_start3A_115 : memref<128x128xf32, #tpu.memory_space<hbm>>) target_semaphore(%run_scoped3A : memref<!tpu.dma_semaphore, #tpu.memory_space<semaphore_mem>>)
      %dma_wait3A = arith.constant 0 : i32
      %dma_wait3A_116 = tpu.memref_slice %arg6[%add3A_95, %dma_wait3A] : memref<20480x128xf32, #tpu.memory_space<hbm>> -> memref<128x128xf32, #tpu.memory_space<hbm>>
      %dma_wait3A_117 = arith.constant 0 : i32
      %dma_wait3A_118 = tpu.memref_slice %arg6[%add3A_95, %dma_wait3A_117] : memref<20480x128xf32, #tpu.memory_space<hbm>> -> memref<128x128xf32, #tpu.memory_space<hbm>>
      tpu.wait_dma2 semaphore(%run_scoped3A : memref<!tpu.dma_semaphore, #tpu.memory_space<semaphore_mem>>) src(%arg10 : memref<128x128xf32, #tpu.memory_space<vmem>>) dst(%dma_wait3A_118 : memref<128x128xf32, #tpu.memory_space<hbm>>)
      tpu.yield
    }) : () -> ()
    %add3A_96 = arith.constant 384 : i32
    %add3A_97 = arith.addi %mul3A_49, %add3A_96 : i32
    "tpu.region"() ({
      %run_scoped3A = tpu.sem_alloc : memref<!tpu.dma_semaphore, #tpu.memory_space<semaphore_mem>>
      %dma_start3A = arith.constant 0 : i32
      %dma_start3A_113 = tpu.memref_slice %arg13[%add3A_97, %dma_start3A] : memref<10240x128xf32, #tpu.memory_space<vmem_shared>> -> memref<128x128xf32, #tpu.memory_space<vmem_shared>>
      %dma_start3A_114 = arith.constant 0 : i32
      %dma_start3A_115 = tpu.memref_slice %arg13[%add3A_97, %dma_start3A_114] : memref<10240x128xf32, #tpu.memory_space<vmem_shared>> -> memref<128x128xf32, #tpu.memory_space<vmem_shared>>
      tpu.enqueue_dma source(%dma_start3A_115 : memref<128x128xf32, #tpu.memory_space<vmem_shared>>) target(%arg10 : memref<128x128xf32, #tpu.memory_space<vmem>>) target_semaphore(%run_scoped3A : memref<!tpu.dma_semaphore, #tpu.memory_space<semaphore_mem>>)
      %dma_wait3A = arith.constant 0 : i32
      %dma_wait3A_116 = tpu.memref_slice %arg13[%add3A_97, %dma_wait3A] : memref<10240x128xf32, #tpu.memory_space<vmem_shared>> -> memref<128x128xf32, #tpu.memory_space<vmem_shared>>
      %dma_wait3A_117 = arith.constant 0 : i32
      %dma_wait3A_118 = tpu.memref_slice %arg13[%add3A_97, %dma_wait3A_117] : memref<10240x128xf32, #tpu.memory_space<vmem_shared>> -> memref<128x128xf32, #tpu.memory_space<vmem_shared>>
      tpu.wait_dma2 semaphore(%run_scoped3A : memref<!tpu.dma_semaphore, #tpu.memory_space<semaphore_mem>>) src(%dma_wait3A_118 : memref<128x128xf32, #tpu.memory_space<vmem_shared>>) dst(%arg10 : memref<128x128xf32, #tpu.memory_space<vmem>>)
      tpu.yield
    }) : () -> ()
    %mul3A_98 = arith.constant 10240 : i32
    %mul3A_99 = arith.muli %arg0, %mul3A_98 : i32
    %add3A_100 = arith.addi %mul3A_99, %mul3A_49 : i32
    %add3A_101 = arith.constant 384 : i32
    %add3A_102 = arith.addi %add3A_100, %add3A_101 : i32
    "tpu.region"() ({
      %run_scoped3A = tpu.sem_alloc : memref<!tpu.dma_semaphore, #tpu.memory_space<semaphore_mem>>
      %dma_start3A = arith.constant 0 : i32
      %dma_start3A_113 = tpu.memref_slice %arg6[%add3A_102, %dma_start3A] : memref<20480x128xf32, #tpu.memory_space<hbm>> -> memref<128x128xf32, #tpu.memory_space<hbm>>
      %dma_start3A_114 = arith.constant 0 : i32
      %dma_start3A_115 = tpu.memref_slice %arg6[%add3A_102, %dma_start3A_114] : memref<20480x128xf32, #tpu.memory_space<hbm>> -> memref<128x128xf32, #tpu.memory_space<hbm>>
      tpu.enqueue_dma source(%arg10 : memref<128x128xf32, #tpu.memory_space<vmem>>) target(%dma_start3A_115 : memref<128x128xf32, #tpu.memory_space<hbm>>) target_semaphore(%run_scoped3A : memref<!tpu.dma_semaphore, #tpu.memory_space<semaphore_mem>>)
      %dma_wait3A = arith.constant 0 : i32
      %dma_wait3A_116 = tpu.memref_slice %arg6[%add3A_102, %dma_wait3A] : memref<20480x128xf32, #tpu.memory_space<hbm>> -> memref<128x128xf32, #tpu.memory_space<hbm>>
      %dma_wait3A_117 = arith.constant 0 : i32
      %dma_wait3A_118 = tpu.memref_slice %arg6[%add3A_102, %dma_wait3A_117] : memref<20480x128xf32, #tpu.memory_space<hbm>> -> memref<128x128xf32, #tpu.memory_space<hbm>>
      tpu.wait_dma2 semaphore(%run_scoped3A : memref<!tpu.dma_semaphore, #tpu.memory_space<semaphore_mem>>) src(%arg10 : memref<128x128xf32, #tpu.memory_space<vmem>>) dst(%dma_wait3A_118 : memref<128x128xf32, #tpu.memory_space<hbm>>)
      tpu.yield
    }) : () -> ()
    %add3A_103 = arith.constant 512 : i32
    %add3A_104 = arith.addi %mul3A_49, %add3A_103 : i32
    "tpu.region"() ({
      %run_scoped3A = tpu.sem_alloc : memref<!tpu.dma_semaphore, #tpu.memory_space<semaphore_mem>>
      %dma_start3A = arith.constant 0 : i32
      %dma_start3A_113 = tpu.memref_slice %arg13[%add3A_104, %dma_start3A] : memref<10240x128xf32, #tpu.memory_space<vmem_shared>> -> memref<128x128xf32, #tpu.memory_space<vmem_shared>>
      %dma_start3A_114 = arith.constant 0 : i32
      %dma_start3A_115 = tpu.memref_slice %arg13[%add3A_104, %dma_start3A_114] : memref<10240x128xf32, #tpu.memory_space<vmem_shared>> -> memref<128x128xf32, #tpu.memory_space<vmem_shared>>
      tpu.enqueue_dma source(%dma_start3A_115 : memref<128x128xf32, #tpu.memory_space<vmem_shared>>) target(%arg10 : memref<128x128xf32, #tpu.memory_space<vmem>>) target_semaphore(%run_scoped3A : memref<!tpu.dma_semaphore, #tpu.memory_space<semaphore_mem>>)
      %dma_wait3A = arith.constant 0 : i32
      %dma_wait3A_116 = tpu.memref_slice %arg13[%add3A_104, %dma_wait3A] : memref<10240x128xf32, #tpu.memory_space<vmem_shared>> -> memref<128x128xf32, #tpu.memory_space<vmem_shared>>
      %dma_wait3A_117 = arith.constant 0 : i32
      %dma_wait3A_118 = tpu.memref_slice %arg13[%add3A_104, %dma_wait3A_117] : memref<10240x128xf32, #tpu.memory_space<vmem_shared>> -> memref<128x128xf32, #tpu.memory_space<vmem_shared>>
      tpu.wait_dma2 semaphore(%run_scoped3A : memref<!tpu.dma_semaphore, #tpu.memory_space<semaphore_mem>>) src(%dma_wait3A_118 : memref<128x128xf32, #tpu.memory_space<vmem_shared>>) dst(%arg10 : memref<128x128xf32, #tpu.memory_space<vmem>>)
      tpu.yield
    }) : () -> ()
    %mul3A_105 = arith.constant 10240 : i32
    %mul3A_106 = arith.muli %arg0, %mul3A_105 : i32
    %add3A_107 = arith.addi %mul3A_106, %mul3A_49 : i32
    %add3A_108 = arith.constant 512 : i32
    %add3A_109 = arith.addi %add3A_107, %add3A_108 : i32
    "tpu.region"() ({
      %run_scoped3A = tpu.sem_alloc : memref<!tpu.dma_semaphore, #tpu.memory_space<semaphore_mem>>
      %dma_start3A = arith.constant 0 : i32
      %dma_start3A_113 = tpu.memref_slice %arg6[%add3A_109, %dma_start3A] : memref<20480x128xf32, #tpu.memory_space<hbm>> -> memref<128x128xf32, #tpu.memory_space<hbm>>
      %dma_start3A_114 = arith.constant 0 : i32
      %dma_start3A_115 = tpu.memref_slice %arg6[%add3A_109, %dma_start3A_114] : memref<20480x128xf32, #tpu.memory_space<hbm>> -> memref<128x128xf32, #tpu.memory_space<hbm>>
      tpu.enqueue_dma source(%arg10 : memref<128x128xf32, #tpu.memory_space<vmem>>) target(%dma_start3A_115 : memref<128x128xf32, #tpu.memory_space<hbm>>) target_semaphore(%run_scoped3A : memref<!tpu.dma_semaphore, #tpu.memory_space<semaphore_mem>>)
      %dma_wait3A = arith.constant 0 : i32
      %dma_wait3A_116 = tpu.memref_slice %arg6[%add3A_109, %dma_wait3A] : memref<20480x128xf32, #tpu.memory_space<hbm>> -> memref<128x128xf32, #tpu.memory_space<hbm>>
      %dma_wait3A_117 = arith.constant 0 : i32
      %dma_wait3A_118 = tpu.memref_slice %arg6[%add3A_109, %dma_wait3A_117] : memref<20480x128xf32, #tpu.memory_space<hbm>> -> memref<128x128xf32, #tpu.memory_space<hbm>>
      tpu.wait_dma2 semaphore(%run_scoped3A : memref<!tpu.dma_semaphore, #tpu.memory_space<semaphore_mem>>) src(%arg10 : memref<128x128xf32, #tpu.memory_space<vmem>>) dst(%dma_wait3A_118 : memref<128x128xf32, #tpu.memory_space<hbm>>)
      tpu.yield
    }) : () -> ()
    "tpu.region"() ({
      %run_scoped3A = tpu.sem_alloc : memref<!tpu.dma_semaphore, #tpu.memory_space<semaphore_mem>>
      %dma_start3A = tpu.memref_slice %arg14[%mul3A_49] : memref<10240xf32, #tpu.memory_space<vmem_shared>> -> memref<640xf32, #tpu.memory_space<vmem_shared>>
      %dma_start3A_113 = tpu.memref_slice %arg14[%mul3A_49] : memref<10240xf32, #tpu.memory_space<vmem_shared>> -> memref<640xf32, #tpu.memory_space<vmem_shared>>
      tpu.enqueue_dma source(%dma_start3A_113 : memref<640xf32, #tpu.memory_space<vmem_shared>>) target(%arg12 : memref<640xf32, #tpu.memory_space<vmem>>) target_semaphore(%run_scoped3A : memref<!tpu.dma_semaphore, #tpu.memory_space<semaphore_mem>>)
      %dma_wait3A = tpu.memref_slice %arg14[%mul3A_49] : memref<10240xf32, #tpu.memory_space<vmem_shared>> -> memref<640xf32, #tpu.memory_space<vmem_shared>>
      %dma_wait3A_114 = tpu.memref_slice %arg14[%mul3A_49] : memref<10240xf32, #tpu.memory_space<vmem_shared>> -> memref<640xf32, #tpu.memory_space<vmem_shared>>
      tpu.wait_dma2 semaphore(%run_scoped3A : memref<!tpu.dma_semaphore, #tpu.memory_space<semaphore_mem>>) src(%dma_wait3A_114 : memref<640xf32, #tpu.memory_space<vmem_shared>>) dst(%arg12 : memref<640xf32, #tpu.memory_space<vmem>>)
      tpu.yield
    }) : () -> ()
    %mul3A_110 = arith.constant 10240 : i32
    %mul3A_111 = arith.muli %arg0, %mul3A_110 : i32
    %add3A_112 = arith.addi %mul3A_111, %mul3A_49 : i32
    "tpu.region"() ({
      %run_scoped3A = tpu.sem_alloc : memref<!tpu.dma_semaphore, #tpu.memory_space<semaphore_mem>>
      %dma_start3A = tpu.memref_slice %arg7[%add3A_112] : memref<20480xf32, #tpu.memory_space<hbm>> -> memref<640xf32, #tpu.memory_space<hbm>>
      %dma_start3A_113 = tpu.memref_slice %arg7[%add3A_112] : memref<20480xf32, #tpu.memory_space<hbm>> -> memref<640xf32, #tpu.memory_space<hbm>>
      tpu.enqueue_dma source(%arg12 : memref<640xf32, #tpu.memory_space<vmem>>) target(%dma_start3A_113 : memref<640xf32, #tpu.memory_space<hbm>>) target_semaphore(%run_scoped3A : memref<!tpu.dma_semaphore, #tpu.memory_space<semaphore_mem>>)
      %dma_wait3A = tpu.memref_slice %arg7[%add3A_112] : memref<20480xf32, #tpu.memory_space<hbm>> -> memref<640xf32, #tpu.memory_space<hbm>>
      %dma_wait3A_114 = tpu.memref_slice %arg7[%add3A_112] : memref<20480xf32, #tpu.memory_space<hbm>> -> memref<640xf32, #tpu.memory_space<hbm>>
      tpu.wait_dma2 semaphore(%run_scoped3A : memref<!tpu.dma_semaphore, #tpu.memory_space<semaphore_mem>>) src(%arg12 : memref<640xf32, #tpu.memory_space<vmem>>) dst(%dma_wait3A_114 : memref<640xf32, #tpu.memory_space<hbm>>)
      tpu.yield
    }) : () -> ()
    return
  }
}

module attributes {stable_mosaic.version = 14 : i64} {
  func.func @body(%arg0: i32, %arg1: memref<400x128xf32, #tpu.memory_space<vmem>>, %arg2: memref<2x400x128xf32, #tpu.memory_space<vmem>>, %arg3: memref<400x1xf32, #tpu.memory_space<vmem>>, %arg4: memref<128x128xf32, #tpu.memory_space<vmem>>, %arg5: memref<128x128xf32, #tpu.memory_space<vmem>>, %arg6: memref<1x128xf32, #tpu.memory_space<vmem>>, %arg7: memref<400x128xf32, #tpu.memory_space<vmem>>) attributes {dimension_semantics = [#tpu.dimension_semantics<arbitrary>], iteration_bounds = array<i64: 25>, scalar_prefetch = 0 : i64, scratch_operands = 0 : i64, tpu.core_type = #tpu.core_type<tc>, window_params = [{transform_indices = @transform_0, window_bounds = array<i64: 400, 128>}, {transform_indices = @transform_1, window_bounds = array<i64: 2, 400, 128>}, {transform_indices = @transform_2, window_bounds = array<i64: 400, 1>}, {pipeline_mode = #tpu.pipeline_mode<synchronous>, transform_indices = @transform_3, window_bounds = array<i64: 128, 128>}, {pipeline_mode = #tpu.pipeline_mode<synchronous>, transform_indices = @transform_4, window_bounds = array<i64: 128, 128>}, {pipeline_mode = #tpu.pipeline_mode<synchronous>, transform_indices = @transform_5, window_bounds = array<i64: 1, 128>}, {transform_indices = @transform_6, window_bounds = array<i64: 400, 128>}]} {
    %get3A = arith.constant 0 : index
    %get3A_0 = arith.constant 0 : index
    %get3A_1 = vector.load %arg3[%get3A, %get3A_0] : memref<400x1xf32, #tpu.memory_space<vmem>>, vector<400x1xf32>
    %max3A = arith.constant 1.000000e+00 : f32
    %max3A_2 = vector.broadcast %max3A : f32 to vector<400x1xf32>
    %max3A_3 = arith.maximumf %get3A_1, %max3A_2 : vector<400x1xf32>
    %get3A_4 = arith.constant 0 : index
    %get3A_5 = arith.constant 0 : index
    %get3A_6 = arith.constant 0 : index
    %get3A_7 = vector.load %arg2[%get3A_4, %get3A_5, %get3A_6] : memref<2x400x128xf32, #tpu.memory_space<vmem>>, vector<1x400x128xf32>
    %get3A_8 = vector.shape_cast %get3A_7 : vector<1x400x128xf32> to vector<400x128xf32>
    %get3A_9 = arith.constant 1 : index
    %get3A_10 = arith.constant 0 : index
    %get3A_11 = arith.constant 0 : index
    %get3A_12 = vector.load %arg2[%get3A_9, %get3A_10, %get3A_11] : memref<2x400x128xf32, #tpu.memory_space<vmem>>, vector<1x400x128xf32>
    %get3A_13 = vector.shape_cast %get3A_12 : vector<1x400x128xf32> to vector<400x128xf32>
    %add3A = arith.addf %get3A_8, %get3A_13 : vector<400x128xf32>
    %div3A = vector.broadcast %max3A_3 : vector<400x1xf32> to vector<400x128xf32>
    %div3A_14 = arith.divf %add3A, %div3A : vector<400x128xf32>
    %get3A_15 = arith.constant 0 : index
    %get3A_16 = arith.constant 0 : index
    %get3A_17 = vector.load %arg1[%get3A_15, %get3A_16] : memref<400x128xf32, #tpu.memory_space<vmem>>, vector<400x128xf32>
    %get3A_18 = arith.constant 0 : index
    %get3A_19 = arith.constant 0 : index
    %get3A_20 = vector.load %arg4[%get3A_18, %get3A_19] : memref<128x128xf32, #tpu.memory_space<vmem>>, vector<128x128xf32>
    %dot_general3A = arith.constant dense<0.000000e+00> : vector<400x128xf32>
    %dot_general3A_21 = tpu.matmul %get3A_17, %get3A_20, %dot_general3A {dimension_numbers = #tpu.dot_dimension_numbers<[1], [0], [0], [1], [0, 0, 1, 1], [], []>, transpose_lhs_hint = false} : vector<400x128xf32>, vector<128x128xf32>, vector<400x128xf32> -> vector<400x128xf32>
    %get3A_22 = arith.constant 0 : index
    %get3A_23 = arith.constant 0 : index
    %get3A_24 = vector.load %arg5[%get3A_22, %get3A_23] : memref<128x128xf32, #tpu.memory_space<vmem>>, vector<128x128xf32>
    %dot_general3A_25 = arith.constant dense<0.000000e+00> : vector<400x128xf32>
    %dot_general3A_26 = tpu.matmul %div3A_14, %get3A_24, %dot_general3A_25 {dimension_numbers = #tpu.dot_dimension_numbers<[1], [0], [0], [1], [0, 0, 1, 1], [], []>, transpose_lhs_hint = false} : vector<400x128xf32>, vector<128x128xf32>, vector<400x128xf32> -> vector<400x128xf32>
    %add3A_27 = arith.addf %dot_general3A_21, %dot_general3A_26 : vector<400x128xf32>
    %get3A_28 = arith.constant 0 : index
    %get3A_29 = arith.constant 0 : index
    %get3A_30 = vector.load %arg6[%get3A_28, %get3A_29] : memref<1x128xf32, #tpu.memory_space<vmem>>, vector<1x128xf32>
    %add3A_31 = vector.broadcast %get3A_30 : vector<1x128xf32> to vector<400x128xf32>
    %add3A_32 = arith.addf %add3A_27, %add3A_31 : vector<400x128xf32>
    %max3A_33 = arith.constant 0.000000e+00 : f32
    %max3A_34 = vector.broadcast %max3A_33 : f32 to vector<400x128xf32>
    %max3A_35 = arith.maximumf %add3A_32, %max3A_34 : vector<400x128xf32>
    %swap3A = arith.constant 0 : index
    %swap3A_36 = arith.constant 0 : index
    %swap3A_37 = vector.load %arg7[%swap3A, %swap3A_36] : memref<400x128xf32, #tpu.memory_space<vmem>>, vector<400x128xf32>
    tpu.vector_store %arg7[%swap3A, %swap3A_36], %max3A_35 {strides = array<i32>} : memref<400x128xf32, #tpu.memory_space<vmem>>, vector<400x128xf32>,
    return
  }
  func.func @transform_0(%arg0: i32) -> (i32, i32) {
    %c0_i32 = arith.constant 0 : i32
    %c0_i32_0 = arith.constant 0 : i32
    return %arg0, %c0_i32 : i32, i32
  }
  func.func @transform_1(%arg0: i32) -> (i32, i32, i32) {
    %c0_i32 = arith.constant 0 : i32
    %c0_i32_0 = arith.constant 0 : i32
    %c0_i32_1 = arith.constant 0 : i32
    return %c0_i32, %arg0, %c0_i32_0 : i32, i32, i32
  }
  func.func @transform_2(%arg0: i32) -> (i32, i32) {
    %c0_i32 = arith.constant 0 : i32
    %c0_i32_0 = arith.constant 0 : i32
    return %arg0, %c0_i32 : i32, i32
  }
  func.func @transform_3(%arg0: i32) -> (i32, i32) {
    %c0_i32 = arith.constant 0 : i32
    %c0_i32_0 = arith.constant 0 : i32
    %c0_i32_1 = arith.constant 0 : i32
    return %c0_i32, %c0_i32_0 : i32, i32
  }
  func.func @transform_4(%arg0: i32) -> (i32, i32) {
    %c0_i32 = arith.constant 0 : i32
    %c0_i32_0 = arith.constant 0 : i32
    %c0_i32_1 = arith.constant 0 : i32
    return %c0_i32, %c0_i32_0 : i32, i32
  }
  func.func @transform_5(%arg0: i32) -> (i32, i32) {
    %c0_i32 = arith.constant 0 : i32
    %c0_i32_0 = arith.constant 0 : i32
    %c0_i32_1 = arith.constant 0 : i32
    return %c0_i32, %c0_i32_0 : i32, i32
  }
  func.func @transform_6(%arg0: i32) -> (i32, i32) {
    %c0_i32 = arith.constant 0 : i32
    %c0_i32_0 = arith.constant 0 : i32
    return %arg0, %c0_i32 : i32, i32
  }
}

module attributes {stable_mosaic.version = 14 : i64} {
  func.func @body(%arg0: i32, %arg1: memref<2x400x128xf32, #tpu.memory_space<vmem>>, %arg2: memref<400x1xf32, #tpu.memory_space<vmem>>, %arg3: memref<400x128xf32, #tpu.memory_space<vmem>>) attributes {dimension_semantics = [#tpu.dimension_semantics<arbitrary>], iteration_bounds = array<i64: 25>, scalar_prefetch = 0 : i64, scratch_operands = 0 : i64, tpu.core_type = #tpu.core_type<tc>, window_params = [{transform_indices = @transform_0, window_bounds = array<i64: 2, 400, 128>}, {transform_indices = @transform_1, window_bounds = array<i64: 400, 1>}, {transform_indices = @transform_2, window_bounds = array<i64: 400, 128>}]} {
    %get3A = arith.constant 0 : index
    %get3A_0 = arith.constant 0 : index
    %get3A_1 = vector.load %arg2[%get3A, %get3A_0] : memref<400x1xf32, #tpu.memory_space<vmem>>, vector<400x1xf32>
    %max3A = arith.constant 1.000000e+00 : f32
    %max3A_2 = vector.broadcast %max3A : f32 to vector<400x1xf32>
    %max3A_3 = arith.maximumf %get3A_1, %max3A_2 : vector<400x1xf32>
    %get3A_4 = arith.constant 0 : index
    %get3A_5 = arith.constant 0 : index
    %get3A_6 = arith.constant 0 : index
    %get3A_7 = vector.load %arg1[%get3A_4, %get3A_5, %get3A_6] : memref<2x400x128xf32, #tpu.memory_space<vmem>>, vector<1x400x128xf32>
    %get3A_8 = vector.shape_cast %get3A_7 : vector<1x400x128xf32> to vector<400x128xf32>
    %get3A_9 = arith.constant 1 : index
    %get3A_10 = arith.constant 0 : index
    %get3A_11 = arith.constant 0 : index
    %get3A_12 = vector.load %arg1[%get3A_9, %get3A_10, %get3A_11] : memref<2x400x128xf32, #tpu.memory_space<vmem>>, vector<1x400x128xf32>
    %get3A_13 = vector.shape_cast %get3A_12 : vector<1x400x128xf32> to vector<400x128xf32>
    %add3A = arith.addf %get3A_8, %get3A_13 : vector<400x128xf32>
    %div3A = vector.broadcast %max3A_3 : vector<400x1xf32> to vector<400x128xf32>
    %div3A_14 = arith.divf %add3A, %div3A : vector<400x128xf32>
    %tanh3A = math.tanh %div3A_14 : vector<400x128xf32>
    %swap3A = arith.constant 0 : index
    %swap3A_15 = arith.constant 0 : index
    %swap3A_16 = vector.load %arg3[%swap3A, %swap3A_15] : memref<400x128xf32, #tpu.memory_space<vmem>>, vector<400x128xf32>
    tpu.vector_store %arg3[%swap3A, %swap3A_15], %tanh3A {strides = array<i32>} : memref<400x128xf32, #tpu.memory_space<vmem>>, vector<400x128xf32>,
    return
  }
  func.func @transform_0(%arg0: i32) -> (i32, i32, i32) {
    %c0_i32 = arith.constant 0 : i32
    %c0_i32_0 = arith.constant 0 : i32
    %c0_i32_1 = arith.constant 0 : i32
    return %c0_i32, %arg0, %c0_i32_0 : i32, i32, i32
  }
  func.func @transform_1(%arg0: i32) -> (i32, i32) {
    %c0_i32 = arith.constant 0 : i32
    %c0_i32_0 = arith.constant 0 : i32
    return %arg0, %c0_i32 : i32, i32
  }
  func.func @transform_2(%arg0: i32) -> (i32, i32) {
    %c0_i32 = arith.constant 0 : i32
    %c0_i32_0 = arith.constant 0 : i32
    return %arg0, %c0_i32 : i32, i32
  }
}

</mosaic_0001>

<sc_bundles>
// kernel: kernel.6.cloned.1.call-start
scs
__scs_entry_jumppad:
0x0: {  	(pc) =	sbr.rel $0x88, $3  }
0x1: {  	(tag) =	ssettag $0x0;
	lr =	simm.s32 $0x1  }
0x2: {  	[smem:$0x3F9C] =	sst lr;
	_ =	strace $0xD0000000  }
0x3: {  	_ = 	snop  }
0x4: {  	_ = 	snop  }
0x5: {  	_ = 	snop  }
0x6: {  	_ = 	snop  }
0x7: {  	_ = 	snop  }
__scs_overlays_trampoline_lowered:
0x8: {  	[smem:$0x3FAB] =	sst s0  }
0x9: {  	[smem:$0x3FAC] =	sst s1  }
0xa: {  	[smem:$0x3FAD] =	sst s2  }
0xb: {  	[smem:$0x3FAE] =	sst s3  }
0xc: {  	[smem:$0x3FAF] =	sst s4  }
0xd: {  	[smem:$0x3FB0] =	sst s5  }
0xe: {  	[smem:$0x3FB1] =	sst s6  }
0xf: {  	[smem:$0x3FB2] =	sst s7  }
0x10: {  	[smem:$0x3FB3] =	sst s8  }
0x11: {  	[smem:$0x3FB4] =	sst s9;
	s0 =	simm.s32 @!p0 $0x0  }
0x12: {  	s1 =	sld [smem:$0x3F9A];
	s0 =	simm.s32 @p0 $0x1  }
0x13: {  	[smem:$0x3FB5] =	sst s0;
	s0 =	simm.s32 @!p1 $0x0  }
0x14: {  	s2 =	sld [smem:$0x3F99];
	s0 =	simm.s32 @p1 $0x1  }
0x15: {  	[smem:$0x3FB6] =	sst s0;
	s0 =	simm.s32 @!p2 $0x0  }
0x16: {  	s3 =	sld [smem:$0x3FDB];
	s0 =	simm.s32 @p2 $0x1  }
0x17: {  	s4 =	simm.s32 $0x1BF5;
	[smem:$0x3FB8] =	sst s0  }
0x18: {  	s0 =	sld [smem:$0x3F9B];
	_ =	swait.ge [sflag:s4], $0x0  }
0x19: {  	s7 =	sld [smem:$0x3F9C]  }
0x1a: {  	s8 =	sadd.s32 $0xFFFFE003, lr  }
0x1b: {  	s9 =	sadd.s32 $0xFFFFFEF7, lr;
	s5 =	simm.s32 $0xFFFFFFFF;
	p2 =	slt.u32 s8, $0xFFFFF086  }
0x1c: {  	p1 =	slt.u32 s9, $0xF7A;
	s5 =	simm.s32 @!p2 $0x0  }
0x1d: {  	s5 =	simm.s32 @p1 $0x1;
	p0 =	seq.s32 s7, s2  }
0x1e: {  	s7 =	smul.u32 @!p0 $0xF7A, s2;
	p2 =	seq.s32 @!p0 s5, $0x0  }
0x1f: {  	s9 =	smul.u32 $0xF7A, s1;
	s8 =	simm.s32 @!p0 $0x1BF5;
	p2 =	por !p2, p0  }
0x20: {  	[sflag:s8] =	ssyncset.s32 @!p0 $0xFFFFF086;
	s6 =	sadd.s32 @!p0 s3, s7;
	s7 =	simm.s32 @!p0 $0x108  }
0x21: {  	s3 =	sadd.s32 s3, s9;
	s6 =	sadd.s32 @!p0 $0x88, s6;
	s7 =	simm.s32 @p2 $0x1082  }
0x22: {  	[simem:s7], [sflag:s8] =	dma.local @!p0 [hbm:s6], $0xF7A  }
0x23: {  	s9 =	sor.u32 $0xD0000000, s2;
	s6 =	simm.s32 $0x108;
	_ =	swait.ge @!p0 [sflag:s8], $0x0  }
0x24: {  	s3 =	sadd.s32 $0x88, s3;
	s6 =	simm.s32 @!p1 $0x1082;
	[sflag:s4] =	ssyncset.s32 $0xFFFFF086  }
0x25: {  	[simem:s6], [sflag:s4] =	dma.local [hbm:s3], $0xF7A  }
0x26: {  	[smem:$0x3F9C] =	sst s1;
	(tag) =	ssettag s2;
	_ =	strace s9  }
0x27: {  	s1 =	sld [smem:$0x3FAC]  }
0x28: {  	s2 =	sld [smem:$0x3FAD]  }
0x29: {  	s4 =	sld [smem:$0x3FAF]  }
0x2a: {  	p0 =	seq.s32 s5, $0x0;
	s5 =	sld [smem:$0x3FB0]  }
0x2b: {  	s6 =	sld [smem:$0x3FB1]  }
0x2c: {  	s7 =	sld [smem:$0x3FB2]  }
0x2d: {  	s3 =	simm.s32 $0x108;
	s8 =	sld [smem:$0x3FB3]  }
0x2e: {  	s3 =	simm.s32 @!p0 $0x1082;
	s9 =	sld [smem:$0x3FB4]  }
0x2f: {  	lr =	sadd.s32 s0, s3;
	s0 =	sld [smem:$0x3FAB]  }
0x30: {  	s3 =	sld [smem:$0x3FAE]  }
0x31: {  	[smem:$0x3FB7] =	sst s10  }
0x32: {  	s10 =	sld [smem:$0x3FB5];
	_ =	sdelay $0x3  }
0x33: {  	p0 =	seq.s32 s10, $0x1;
	s10 =	sld [smem:$0x3FB7];
	_ =	sdelay $0x3  }
0x34: {  	[smem:$0x3FB7] =	sst s10  }
0x35: {  	s10 =	sld [smem:$0x3FB6];
	_ =	sdelay $0x3  }
0x36: {  	p1 =	seq.s32 s10, $0x1;
	s10 =	sld [smem:$0x3FB7];
	_ =	sdelay $0x3  }
0x37: {  	[smem:$0x3FB7] =	sst s10  }
0x38: {  	s10 =	sld [smem:$0x3FB8]  }
0x39: {  	_ = 	snop;
	(pc) =	sbr.ind lr, $3  }
0x3a: {  	_ = 	snop  }
0x3b: {  	_ = 	snop  }
0x3c: {  	p2 =	seq.s32 s10, $0x1;
	s10 =	sld [smem:$0x3FB7]  }
0x3d: {  	_ =	shalt  }
0x3e: {  	_ =	shalt  }
0x3f: {  	_ =	shalt  }
0x40: {  	_ =	shalt  }
0x41: {  	_ =	shalt  }
0x42: {  	_ =	shalt  }
0x43: {  	_ =	shalt  }
0x44: {  	_ =	shalt  }
0x45: {  	_ =	shalt  }
0x46: {  	_ =	shalt  }
0x47: {  	_ =	shalt  }
0x48: {  	_ =	shalt  }
0x49: {  	_ =	shalt  }
0x4a: {  	_ =	shalt  }
0x4b: {  	_ =	shalt  }
0x4c: {  	_ =	shalt  }
0x4d: {  	_ =	shalt  }
0x4e: {  	_ =	shalt  }
0x4f: {  	_ =	shalt  }
0x50: {  	_ =	shalt  }
0x51: {  	_ =	shalt  }
0x52: {  	_ =	shalt  }
0x53: {  	_ =	shalt  }
0x54: {  	_ =	shalt  }
0x55: {  	_ =	shalt  }
0x56: {  	_ =	shalt  }
0x57: {  	_ =	shalt  }
0x58: {  	_ =	shalt  }
0x59: {  	_ =	shalt  }
0x5a: {  	_ =	shalt  }
0x5b: {  	_ =	shalt  }
0x5c: {  	_ =	shalt  }
0x5d: {  	_ =	shalt  }
0x5e: {  	_ =	shalt  }
0x5f: {  	_ =	shalt  }
0x60: {  	_ =	shalt  }
0x61: {  	_ =	shalt  }
0x62: {  	_ =	shalt  }
0x63: {  	_ =	shalt  }
0x64: {  	_ =	shalt  }
0x65: {  	_ =	shalt  }
0x66: {  	_ =	shalt  }
0x67: {  	_ =	shalt  }
0x68: {  	_ =	shalt  }
0x69: {  	_ =	shalt  }
0x6a: {  	_ =	shalt  }
0x6b: {  	_ =	shalt  }
0x6c: {  	_ =	shalt  }
0x6d: {  	_ =	shalt  }
0x6e: {  	_ =	shalt  }
0x6f: {  	_ =	shalt  }
0x70: {  	_ =	shalt  }
0x71: {  	_ =	shalt  }
0x72: {  	_ =	shalt  }
0x73: {  	_ =	shalt  }
0x74: {  	_ =	shalt  }
0x75: {  	_ =	shalt  }
0x76: {  	_ =	shalt  }
0x77: {  	_ =	shalt  }
0x78: {  	_ =	shalt  }
0x79: {  	_ =	shalt  }
0x7a: {  	_ =	shalt  }
0x7b: {  	_ =	shalt  }
0x7c: {  	_ =	shalt  }
0x7d: {  	_ =	shalt  }
0x7e: {  	_ =	shalt  }
0x7f: {  	_ =	shalt  }
0x80: {  	_ =	shalt  }
0x81: {  	_ =	shalt  }
0x82: {  	_ =	shalt  }
0x83: {  	_ =	shalt  }
0x84: {  	_ =	shalt  }
0x85: {  	_ =	shalt  }
0x86: {  	_ =	shalt  }
0x87: {  	_ =	shalt  }
.Lfunc_end0:
.L_simem_size_0:
called_computation_lowered:
.L_overlay_start_0:
0x88: {  	s2 =	sld [smem:$0x3FD9]  }
0x89: {  	s3 =	sld [smem:$0x3FFE];
	_ =	sdelay $0x1  }
0x8a: {  	s1 =	srdreg.scid  }
0x8b: {  	s0 =	sand.u32 $0x1, s1  }
0x8c: {  	s17 =	sshll.u32 s0, $0xA;
	s2 =	sadd.s32 s3, s2  }
0x8d: {  	s2 =	sadd.s32 s2, s17  }
0x8e: {  	[smem:$0x3FC3] =	sst s2  }
0x8f: {  	_ = 	snop  }
0x90: {  	s2 =	sld [smem:$0x3FC9]  }
0x91: {  	s18 =	sld [smem:$0x3FD0];
	(tm) =	ssettm $0x1  }
0x92: {  	s4 =	sld [smem:$0x3FFB];
	_ =	sdelay $0x3  }
0x93: {  	_ =	strace s4  }
0x94: {  	s4 =	sld [smem:$0x3FFC];
	_ =	sdelay $0x3  }
0x95: {  	_ =	strace s4  }
0x96: {  	s4 =	sld [smem:$0x3FFD];
	_ =	sdelay $0x3  }
0x97: {  	_ =	strace s4  }
0x98: {  	_ =	strace $0x8FFFFFFF  }
0x99: {  	s19 =	sld [smem:$0x3FDB];
	_ =	sdelay $0x1  }
0x9a: {  	s5 =	simm.s32 $_scs_section_size  }
0x9b: {  	s6 =	simm.s32 $_size__tile_overlayer_lowered;
	s7 =	simm.s32 $_tile_overlayer_lowered  }
0x9c: {  	s22 =	simm.s32 $0x1BFF;
	s21 =	sshll.u32 s7, $0x1;
	s4 =	sadd.s32 s5, s19  }
0x9d: {  	s8 =	simm.s32 $0x0;
	s20 =	sshll.u32 s6, $0x1;
	s6 =	sadd.s32 s21, s4  }
0x9e: {  	[timem:s8], [sflag:s22] =	dma.local [hbm:s6], s20  }
0x9f: {  	_ =	swait.ge [sflag:s22], s20  }
0xa0: {  	s5 =	ssub.s32 $0x0, s20;
	[sflag:s22] =	ssyncset.done $0x0  }
0xa1: {  	[sflag:s22] =	ssyncadd.s32 s5;
	_ =	sdelay $0x1  }
0xa2: {  	s23 =	simm.s32 $0x1B8B  }
0xa3: {  	_ =	swait.ge [sflag:s23], $0x1  }
0xa4: {  	[sflag:s23] =	ssyncset.done $0x0  }
0xa5: {  	s25 =	simm.s32 $0x1B8E;
	s24 =	sld [smem:$0x3FFE];
	[sflag:s23] =	ssyncadd.s32 $0xFFFFFFFF  }
0xa6: {  	s26 =	simm.s32 $execute0_lowered;
	[smem:$0x3FD2] =	sst s25  }
0xa7: {  	s6 =	sshll.u32 s26, $0x1;
	_ =	strace $0x80000046;
	[dreg:$0x1] =	wrdreg $0xFFFFFFFF  }
0xa8: {  	s28 =	simm.s32 $_size_execute0_lowered;
	s4 =	sadd.s32 s4, s6;
	[dreg:$0x0] =	wrdreg $0x0  }
0xa9: {  	s6 =	sshll.u32 s28, $0x1;
	[dreg:$0x2] =	wrdreg s4  }
0xaa: {  	[dreg:$0x3] =	wrdreg s6  }
0xab: {  	[dreg:$0x4] =	wrdreg $0xC0  }
0xac: {  	_ =	task [dreg:s8], $0x5FFFF  }
0xad: {  	[dreg:$0x1] =	wrdreg $0xFFFFFFFF  }
0xae: {  	[dreg:$0x0] =	wrdreg $0x60  }
0xaf: {  	[dreg:$0x2] =	wrdreg s2  }
0xb0: {  	[dreg:$0x3] =	wrdreg s24  }
0xb1: {  	[dreg:$0x4] =	wrdreg s18  }
0xb2: {  	[dreg:$0x5] =	wrdreg $0x44000  }
0xb3: {  	[dreg:$0x6] =	wrdreg $0x184000  }
0xb4: {  	[dreg:$0x7] =	wrdreg $0x9  }
0xb5: {  	_ =	task.clear_ibuf [dreg:s8], $0x8FFFF;
	_ =	strace $0x90000046  }
0xb6: {  	s29 =	simm.s32 $0x9;
	_ =	strace $0x80000048  }
0xb7: {  	_ =	swait.ge [sflag:s29], $0x1  }
0xb8: {  	[sflag:s29] =	ssyncadd.s32 $0xFFFFFFFF  }
0xb9: {  	_ =	strace $0x90000048  }
0xba: {  	_ =	sfence  }
0xbb: {  	s30 =	sld [smem:$0x0];
	_ =	sdelay $0x2  }
0xbc: {  	s31 =	sshll.u32 s1, $0xD;
	s1 =	sshrl.u32 s1, $0x2  }
0xbd: {  	s3 =	sand.u32 $0x4000, s31;
	s1 =	sadd.s32 s1, s30  }
0xbe: {  	s0 =	sor.u32 s3, s0;
	s1 =	sshll.u32 s1, $0x11  }
0xbf: {  	s0 =	sor.u32 s1, s0  }
0xc0: {  	s0 =	sadd.s32 $0x8F2B, s0  }
0xc1: {  	[sflag:s0] =	ssyncadd.remote.s32 $0x1  }
0xc2: {  	_ =	sfence.sel $0xFFFF  }
0xc3: {  	[dreg:$0x0] =	wrdreg $0xFFFFFFFF;
	(pc) =	sbr.abs _section_cstart, $3  }
0xc4: {  	[dreg:$0x1] =	wrdreg $0xFFFFFFFF  }
0xc5: {  	_ =	task.clear_ibuf [dreg:s8], $0x2FFFF;
	_ =	strace $0x9FFFFFFF  }
0xc6: {  	(tm) =	ssettm $0x7FFFFFFF  }
0xc7: {  	_ =	shalt  }
tec
execute0_lowered:
.L_overlay_start_1:
0x0: {  	(tag) =	ssettag $0x1  }
0x1: {  	s1 =	rddreg [dreg:$0x0]  }
0x2: {  	s0 =	rddreg [dreg:$0x1]  }
0x3: {  	s2 =	rddreg [dreg:$0x2];
	s13 =	stileid.u32  }
0x4: {  	s4 =	srdreg.scid;
	s11 =	smul.u32 $0x280, s13  }
0x5: {  	s3 =	rddreg [dreg:$0x3];
	s7 =	smul.u32 $0x9E0, s13  }
0x6: {  	s5 =	simm.s32 $0x0;
	s28 =	simm.s32 $0x1;
	s9 =	smul.u32 $0x50000, s13  }
0x7: {  	s29 =	simm.s32 $0x4100;
	s12 =	sand.u32 $0x1, s4;
	s21 =	smul.u32 $0x4F00, s13  }
0x8: {  	s30 =	simm.s32 $0x0;
	[smem:$0x7FF] =	sst s5;
	s6 =	smul.u32 $0x2800, s12  }
0x9: {  	s4 =	rddreg [dreg:$0x4];
	_ =	strace $0x80000047;
	s20 =	smul.u32 $0x4F000, s12  }
0xa: {  	s10 =	ssub.s32 $0x2, s12;
	s12 =	smul.u32 $0x4F0, s12;
	s19 =	sadd.s32 s7, s0  }
0xb: {  	s14 =	sshrl.u32 s9, $0x2;
	s15 =	sshrl.u32 s10, $0x1;
	s6 =	sadd.s32 s11, s6  }
0xc: {  	s18 =	ssub.s32 s10, s15;
	s11 =	sadd.s32 s11, s4;
	s25 =	sadd.s32 s12, s19  }
0xd: {  	s26 =	sadd.s32 s21, s20;
	s8 =	sshll.u32 s6, $0x4;
	s6 =	sshrl.u32 s6, $0x3  }
0xe: {  	s18 =	smax.u32 s18, $0x1;
	s19 =	sadd.s32 $0x1A00, s25;
	s20 =	sadd.s32 $0x15600, s25  }
0xf: {  	s31 =	sshrl.u32 s26, $0x3;
	s25 =	simm.s32 $0x80;
	s26 =	simm.s32 $0x2  }
0x10: {  	s16 =	sadd.s32 s8, s0;
	s0 =	sadd.s32 s6, s0;
	s6 =	sadd.s32 s14, s3  }
0x11: {  	s21 =	sadd.s32 s31, s2;
	s7 =	sadd.s32 $0x4000, s6;
	s17 =	sadd.s32 $0x29C00, s16  }
0x12: {  	s8 =	sadd.s32 $0x8000, s6;
	s22 =	sadd.s32 $0x2A400, s16;
	[dreg:$0x6] =	wrdreg s17  }
0x13: {  	s9 =	sadd.s32 $0xC000, s6;
	s23 =	sadd.s32 $0x2AC00, s16;
	[dreg:$0x7] =	wrdreg s22  }
0x14: {  	s10 =	sadd.s32 $0x10000, s6;
	s24 =	sadd.s32 $0x2B400, s16;
	[dreg:$0x8] =	wrdreg s23  }
0x15: {  	s16 =	sadd.s32 $0x2BC00, s16;
	[dreg:$0x9] =	wrdreg s24;
	s17 =	sadd.s32 $0x29200, s0  }
0x16: {  	v0 =	vimm.f32 $0.0e+00;
	v1 =	vimm.f32 $1.000000000e+00;
	s22 =	simm.s32 $0x100;
	s23 =	simm.s32 $0x3;
	s24 =	simm.s32 $0x4180  }
.LBB2_1:
0x17: {  	s0 =	simm.s32 $0x0;
	s2 =	simm.s32 $0x200  }
.LBB2_2:
0x18: {  	p0 =	sne.s32 s2, $0xFE00;
	[tilespmem:s0+$0x170] =	vst v0  }
0x19: {  	[tilespmem:s0+$0x100] =	vst v0  }
0x1a: {  	[tilespmem:s0+$0x110] =	vst v0  }
.Ltmp0:
0x1b: {  	[tilespmem:s0+$0x120] =	vst v0;
	(pc) =	sbr.rel @p0 .LBB2_2-.Ltmp0, $4  }
0x1c: {  	[tilespmem:s0+$0x130] =	vst v0  }
0x1d: {  	[tilespmem:s0+$0x140] =	vst v0  }
0x1e: {  	[tilespmem:s0+$0x150] =	vst v0  }
0x1f: {  	[tilespmem:s0+$0x160] =	vst v0;
	s0 =	sshra.s32 s2, $0x2;
	s2 =	sadd.s32 $0x200, s2  }
0x20: {  	[tilespmem:s0+$0x170] =	vst v0  }
0x21: {  	[tilespmem:s0+$0x100] =	vst v0  }
0x22: {  	[tilespmem:s0+$0x110] =	vst v0  }
0x23: {  	[tilespmem:s0+$0x120] =	vst v0  }
0x24: {  	[tilespmem:s0+$0x130] =	vst v0  }
0x25: {  	[tilespmem:s0+$0x140] =	vst v0  }
0x26: {  	[tilespmem:s0+$0x150] =	vst v0  }
0x27: {  	[tilespmem:s0+$0x160] =	vst v0  }
0x28: {  	[tilespmem:$0x4100] =	vst v1  }
0x29: {  	[tilespmem:$0x4110] =	vst v1  }
0x2a: {  	[tilespmem:$0x4120] =	vst v1  }
0x2b: {  	[tilespmem:$0x4130] =	vst v1  }
0x2c: {  	[tilespmem:$0x4140] =	vst v1  }
0x2d: {  	[tilespmem:$0x4150] =	vst v1  }
0x2e: {  	[tilespmem:$0x4160] =	vst v1  }
0x2f: {  	[tilespmem:$0x4170] =	vst v1  }
0x30: {  	[tilespmem:$0x4180] =	vst v0  }
0x31: {  	[tilespmem:$0x4190] =	vst v0  }
0x32: {  	[tilespmem:$0x41A0] =	vst v0  }
0x33: {  	[tilespmem:$0x41B0] =	vst v0  }
0x34: {  	[tilespmem:$0x41C0] =	vst v0  }
0x35: {  	[tilespmem:$0x41D0] =	vst v0  }
0x36: {  	[tilespmem:$0x41E0] =	vst v0  }
0x37: {  	[tilespmem:$0x41F0] =	vst v0  }
0x38: {  	[tilespmem:$0x4200] =	vst v0  }
0x39: {  	[tilespmem:$0x4210] =	vst v0  }
0x3a: {  	[tilespmem:$0x4220] =	vst v0  }
0x3b: {  	[tilespmem:$0x4230] =	vst v0  }
0x3c: {  	[tilespmem:$0x4240] =	vst v0  }
0x3d: {  	[tilespmem:$0x4250] =	vst v0  }
0x3e: {  	[tilespmem:$0x4260] =	vst v0  }
0x3f: {  	[tilespmem:$0x4270] =	vst v0  }
0x40: {  	[tilespmem:$0x4280] =	vst v0  }
0x41: {  	[tilespmem:$0x4290] =	vst v0  }
0x42: {  	[tilespmem:$0x42A0] =	vst v0  }
0x43: {  	[tilespmem:$0x42B0] =	vst v0  }
0x44: {  	[tilespmem:$0x42C0] =	vst v0  }
0x45: {  	[tilespmem:$0x42D0] =	vst v0  }
0x46: {  	[tilespmem:$0x42E0] =	vst v0  }
0x47: {  	[tilespmem:$0x42F0] =	vst v0  }
0x48: {  	[tilespmem:$0x4300] =	vst v0  }
0x49: {  	[tilespmem:$0x4310] =	vst v0  }
0x4a: {  	[tilespmem:$0x4320] =	vst v0  }
0x4b: {  	[tilespmem:$0x4330] =	vst v0  }
0x4c: {  	[tilespmem:$0x4340] =	vst v0  }
0x4d: {  	[tilespmem:$0x4350] =	vst v0  }
0x4e: {  	[tilespmem:$0x4360] =	vst v0  }
0x4f: {  	[tilespmem:$0x4370] =	vst v0  }
0x50: {  	[tilespmem:$0x4380] =	vst v0  }
0x51: {  	[tilespmem:$0x4390] =	vst v0  }
0x52: {  	[tilespmem:$0x43A0] =	vst v0  }
0x53: {  	[tilespmem:$0x43B0] =	vst v0  }
0x54: {  	[tilespmem:$0x43C0] =	vst v0  }
0x55: {  	[tilespmem:$0x43D0] =	vst v0  }
0x56: {  	[tilespmem:$0x43E0] =	vst v0  }
0x57: {  	[tilespmem:$0x43F0] =	vst v0  }
0x58: {  	[spmem:s6] =	stream.linear.scatter [tilespmem:s22], [sflag:$0x3], $0x4000, $0x38;
	[tilespmem:$0x18680] =	vst v63  }
0x59: {  	_ =	swait.ge [sflag:s23], $0x4000  }
0x5a: {  	[sflag:s23] =	ssyncset.done $0x0  }
0x5b: {  	[sflag:s23] =	ssyncadd.s32 $0xFFFFC000  }
0x5c: {  	[spmem:s7] =	stream.linear.scatter [tilespmem:s22], [sflag:$0x3], $0x4000, $0x38;
	[tilespmem:$0x18680] =	vst v63  }
0x5d: {  	_ =	swait.ge [sflag:s23], $0x4000  }
0x5e: {  	[sflag:s23] =	ssyncset.done $0x0  }
0x5f: {  	[sflag:s23] =	ssyncadd.s32 $0xFFFFC000  }
0x60: {  	[spmem:s8] =	stream.linear.scatter [tilespmem:s22], [sflag:$0x3], $0x4000, $0x38;
	[tilespmem:$0x18680] =	vst v63  }
0x61: {  	_ =	swait.ge [sflag:s23], $0x4000  }
0x62: {  	[sflag:s23] =	ssyncset.done $0x0  }
0x63: {  	[sflag:s23] =	ssyncadd.s32 $0xFFFFC000  }
0x64: {  	[spmem:s9] =	stream.linear.scatter [tilespmem:s22], [sflag:$0x3], $0x4000, $0x38;
	[tilespmem:$0x18680] =	vst v63  }
0x65: {  	_ =	swait.ge [sflag:s23], $0x4000  }
0x66: {  	[sflag:s23] =	ssyncset.done $0x0  }
0x67: {  	[sflag:s23] =	ssyncadd.s32 $0xFFFFC000  }
0x68: {  	[spmem:s10] =	stream.linear.scatter [tilespmem:s22], [sflag:$0x3], $0x4000, $0x38;
	[tilespmem:$0x18680] =	vst v63  }
0x69: {  	_ =	swait.ge [sflag:s23], $0x4000  }
0x6a: {  	[sflag:s23] =	ssyncset.done $0x0  }
0x6b: {  	[sflag:s23] =	ssyncadd.s32 $0xFFFFC000  }
0x6c: {  	[spmem:s11] =	stream.linear.scatter [tilespmem:s24], [sflag:$0x3], $0x280, $0x38;
	[tilespmem:$0x18680] =	vst v63  }
0x6d: {  	_ =	swait.ge [sflag:s23], $0x280  }
0x6e: {  	[sflag:s23] =	ssyncset.done $0x0  }
0x6f: {  	[sflag:s23] =	ssyncadd.s32 $0xFFFFFD80  }
0x70: {  	s2 =	simm.s32 $0x0;
	s14 =	sadd.s32 $0x0, s20;
	[bflag:$0x0] =	sbarrier.arrive $0xFFFF  }
0x71: {  	[tilespmem:s2], [sflag:$0x2] =	stream.linear.gather [hbm4b:s14+s2], $0x80, $0x38;
	[tilespmem:$0x18680] =	vst v63  }
0x72: {  	s15 =	sadd.s32 $0x0, s19  }
0x73: {  	[tilespmem:s25], [sflag:$0x2] =	stream.linear.gather [hbm4b:s15+s2], $0x80, $0x38;
	[tilespmem:$0x18680] =	vst v63  }
0x74: {  	_ =	swait.ge [sflag:s26], $0x80  }
0x75: {  	[sflag:s26] =	ssyncset.done $0x0  }
0x76: {  	[sflag:s26] =	ssyncadd.s32 $0xFFFFFF80  }
0x77: {  	_ =	swait.ge [sflag:s26], $0x80  }
0x78: {  	[sflag:s26] =	ssyncset.done $0x0  }
0x79: {  	[sflag:s26] =	ssyncadd.s32 $0xFFFFFF80  }
0x7a: {  	[tilespmem:s22], [sflag:$0x1] =	stream.indirect.gather [hbm4b:s1+s25], $0x80, s2, s25, $0xb8;
	[tilespmem:$0x18680] =	vst v63  }
0x7b: {  	_ =	swait.ge [sflag:s28], $0x4000  }
0x7c: {  	[sflag:s28] =	ssyncset.done $0x0  }
0x7d: {  	[sflag:s28] =	ssyncadd.s32 $0xFFFFC000  }
0x7e: {  	[spmem:s3] =	stream.indirect.scatter.add.f32 [tilespmem:s22], [sflag:$0x3], $0x80, s25, s25, $0xb8;
	[tilespmem:$0x18680] =	vst v63  }
0x7f: {  	s31 =	simm.s32 $0x10;
	_ =	swait.ge [sflag:s23], $0x4000  }
0x80: {  	s12 =	simm.s32 $0x20;
	s0 =	simm.s32 $0x10;
	[sflag:s23] =	ssyncset.done $0x0  }
.LBB2_4:
0x81: {  	s13 =	sadd.s32 s0, s20  }
0x82: {  	[sflag:s23] =	ssyncadd.s32 $0xFFFFC000;
	s14 =	smov.u32 s12;
	s15 =	sadd.s32 $0x10, s12  }
0x83: {  	[tilespmem:s2], [sflag:$0x2] =	stream.linear.gather [hbm4b:s13+s2], $0x80, $0x38;
	[tilespmem:$0x18680] =	vst v63  }
0x84: {  	p0 =	sne.s32 s12, $0x4E0;
	s12 =	sadd.s32 s0, s19;
	s0 =	smov.u32 s14  }
0x85: {  	[tilespmem:s25], [sflag:$0x2] =	stream.linear.gather [hbm4b:s12+s2], $0x80, $0x38;
	[tilespmem:$0x18680] =	vst v63  }
0x86: {  	_ =	swait.ge [sflag:s26], $0x80  }
0x87: {  	[sflag:s26] =	ssyncset.done $0x0  }
0x88: {  	[sflag:s26] =	ssyncadd.s32 $0xFFFFFF80  }
0x89: {  	_ =	swait.ge [sflag:s26], $0x80  }
0x8a: {  	[sflag:s26] =	ssyncset.done $0x0  }
0x8b: {  	[sflag:s26] =	ssyncadd.s32 $0xFFFFFF80  }
0x8c: {  	[tilespmem:s22], [sflag:$0x1] =	stream.indirect.gather [hbm4b:s1+s25], $0x80, s2, s25, $0xb8;
	[tilespmem:$0x18680] =	vst v63  }
0x8d: {  	_ =	swait.ge [sflag:s28], $0x4000  }
.Ltmp1:
0x8e: {  	[sflag:s28] =	ssyncset.done $0x0;
	(pc) =	sbr.rel @p0 .LBB2_4-.Ltmp1, $4  }
0x8f: {  	[sflag:s28] =	ssyncadd.s32 $0xFFFFC000  }
0x90: {  	[spmem:s3] =	stream.indirect.scatter.add.f32 [tilespmem:s22], [sflag:$0x3], $0x80, s25, s25, $0xb8;
	[tilespmem:$0x18680] =	vst v63  }
0x91: {  	_ =	swait.ge [sflag:s23], $0x4000  }
0x92: {  	s12 =	smov.u32 s15;
	[sflag:s23] =	ssyncset.done $0x0  }
0x93: {  	s12 =	sadd.s32 s0, s20;
	[sflag:s23] =	ssyncadd.s32 $0xFFFFC000  }
0x94: {  	[tilespmem:s2], [sflag:$0x2] =	stream.linear.gather [hbm4b:s12+s2], $0x80, $0x38;
	[tilespmem:$0x18680] =	vst v63  }
0x95: {  	s14 =	sadd.s32 s0, s19  }
0x96: {  	[tilespmem:s25], [sflag:$0x2] =	stream.linear.gather [hbm4b:s14+s2], $0x80, $0x38;
	[tilespmem:$0x18680] =	vst v63  }
0x97: {  	_ =	swait.ge [sflag:s26], $0x80  }
0x98: {  	[sflag:s26] =	ssyncset.done $0x0  }
0x99: {  	[sflag:s26] =	ssyncadd.s32 $0xFFFFFF80  }
0x9a: {  	_ =	swait.ge [sflag:s26], $0x80  }
0x9b: {  	[sflag:s26] =	ssyncset.done $0x0  }
0x9c: {  	[sflag:s26] =	ssyncadd.s32 $0xFFFFFF80  }
0x9d: {  	[tilespmem:s22], [sflag:$0x1] =	stream.indirect.gather [hbm4b:s1+s25], $0x80, s2, s25, $0xb8;
	[tilespmem:$0x18680] =	vst v63  }
0x9e: {  	_ =	swait.ge [sflag:s28], $0x4000  }
0x9f: {  	[sflag:s28] =	ssyncset.done $0x0  }
0xa0: {  	[sflag:s28] =	ssyncadd.s32 $0xFFFFC000  }
0xa1: {  	[spmem:s3] =	stream.indirect.scatter.add.f32 [tilespmem:s22], [sflag:$0x3], $0x80, s25, s25, $0xb8;
	[tilespmem:$0x18680] =	vst v63  }
0xa2: {  	_ =	swait.ge [sflag:s23], $0x4000  }
0xa3: {  	[sflag:s23] =	ssyncset.done $0x0  }
0xa4: {  	s15 =	sadd.s32 $0x0, s21;
	[sflag:s23] =	ssyncadd.s32 $0xFFFFC000  }
0xa5: {  	[tilespmem:s25], [sflag:$0x3] =	stream.linear.gather [hbm4b:s15+s5], $0x80, $0x38;
	[tilespmem:$0x18680] =	vst v63  }
0xa6: {  	_ =	swait.ge [sflag:s23], $0x80  }
0xa7: {  	[sflag:s23] =	ssyncset.done $0x0  }
0xa8: {  	[sflag:s23] =	ssyncadd.s32 $0xFFFFFF80  }
0xa9: {  	[spmem:s4] =	stream.indirect.scatter.add.f32 [tilespmem:s29], [sflag:$0x3], $0x1, s25, s25, $0xb8;
	[tilespmem:$0x18680] =	vst v63  }
0xaa: {  	_ =	swait.ge [sflag:s23], $0x80  }
0xab: {  	s0 =	simm.s32 $0x20;
	[sflag:s23] =	ssyncset.done $0x0  }
.LBB2_6:
0xac: {  	s2 =	sadd.s32 s31, s21  }
0xad: {  	[sflag:s23] =	ssyncadd.s32 $0xFFFFFF80;
	s31 =	smov.u32 s0;
	s12 =	sadd.s32 $0x10, s0  }
0xae: {  	[tilespmem:s25], [sflag:$0x3] =	stream.linear.gather [hbm4b:s2+s5], $0x80, $0x38;
	[tilespmem:$0x18680] =	vst v63  }
0xaf: {  	p0 =	sne.s32 s0, $0x9D0;
	_ =	swait.ge [sflag:s23], $0x80  }
.Ltmp2:
0xb0: {  	[sflag:s23] =	ssyncset.done $0x0;
	(pc) =	sbr.rel @p0 .LBB2_6-.Ltmp2, $4  }
0xb1: {  	[sflag:s23] =	ssyncadd.s32 $0xFFFFFF80  }
0xb2: {  	[spmem:s4] =	stream.indirect.scatter.add.f32 [tilespmem:s29], [sflag:$0x3], $0x1, s25, s25, $0xb8;
	[tilespmem:$0x18680] =	vst v63  }
0xb3: {  	_ =	swait.ge [sflag:s23], $0x80  }
0xb4: {  	s0 =	smov.u32 s12;
	[sflag:s23] =	ssyncset.done $0x0  }
0xb5: {  	s0 =	sadd.s32 s31, s21;
	[sflag:s23] =	ssyncadd.s32 $0xFFFFFF80  }
0xb6: {  	[tilespmem:s25], [sflag:$0x3] =	stream.linear.gather [hbm4b:s0+s5], $0x80, $0x38;
	[tilespmem:$0x18680] =	vst v63  }
0xb7: {  	_ =	swait.ge [sflag:s23], $0x80  }
0xb8: {  	[sflag:s23] =	ssyncset.done $0x0  }
0xb9: {  	[sflag:s23] =	ssyncadd.s32 $0xFFFFFF80  }
0xba: {  	[spmem:s4] =	stream.indirect.scatter.add.f32 [tilespmem:s29], [sflag:$0x3], $0x1, s25, s25, $0xb8;
	[tilespmem:$0x18680] =	vst v63  }
0xbb: {  	_ =	swait.ge [sflag:s23], $0x80  }
0xbc: {  	[sflag:s23] =	ssyncset.done $0x0  }
0xbd: {  	[sflag:s23] =	ssyncadd.s32 $0xFFFFFF80  }
0xbe: {  	[bflag:$0x0] =	sbarrier.arrive $0xFFFF  }
0xbf: {  	[tilespmem:s22], [sflag:$0x3] =	stream.linear.gather [spmem:s6], $0x4000, $0x38;
	[tilespmem:$0x18680] =	vst v63  }
0xc0: {  	_ =	swait.ge [sflag:s23], $0x4000  }
0xc1: {  	[sflag:s23] =	ssyncset.done $0x0  }
0xc2: {  	s13 =	rddreg [dreg:$0x6];
	[sflag:s23] =	ssyncadd.s32 $0xFFFFC000  }
0xc3: {  	[hbm4b:s13+s5] =	stream.linear.scatter [tilespmem:s22], [sflag:$0x3], $0x4000, $0x38;
	[tilespmem:$0x18680] =	vst v63  }
0xc4: {  	_ =	swait.ge [sflag:s23], $0x4000  }
0xc5: {  	[sflag:s23] =	ssyncset.done $0x0  }
0xc6: {  	[sflag:s23] =	ssyncadd.s32 $0xFFFFC000  }
0xc7: {  	[tilespmem:s22], [sflag:$0x3] =	stream.linear.gather [spmem:s7], $0x4000, $0x38;
	[tilespmem:$0x18680] =	vst v63  }
0xc8: {  	_ =	swait.ge [sflag:s23], $0x4000  }
0xc9: {  	[sflag:s23] =	ssyncset.done $0x0  }
0xca: {  	s14 =	rddreg [dreg:$0x7];
	[sflag:s23] =	ssyncadd.s32 $0xFFFFC000  }
0xcb: {  	[hbm4b:s14+s5] =	stream.linear.scatter [tilespmem:s22], [sflag:$0x3], $0x4000, $0x38;
	[tilespmem:$0x18680] =	vst v63  }
0xcc: {  	_ =	swait.ge [sflag:s23], $0x4000  }
0xcd: {  	[sflag:s23] =	ssyncset.done $0x0  }
0xce: {  	[sflag:s23] =	ssyncadd.s32 $0xFFFFC000  }
0xcf: {  	[tilespmem:s22], [sflag:$0x3] =	stream.linear.gather [spmem:s8], $0x4000, $0x38;
	[tilespmem:$0x18680] =	vst v63  }
0xd0: {  	_ =	swait.ge [sflag:s23], $0x4000  }
0xd1: {  	[sflag:s23] =	ssyncset.done $0x0  }
0xd2: {  	s15 =	rddreg [dreg:$0x8];
	[sflag:s23] =	ssyncadd.s32 $0xFFFFC000  }
0xd3: {  	[hbm4b:s15+s5] =	stream.linear.scatter [tilespmem:s22], [sflag:$0x3], $0x4000, $0x38;
	[tilespmem:$0x18680] =	vst v63  }
0xd4: {  	_ =	swait.ge [sflag:s23], $0x4000  }
0xd5: {  	[sflag:s23] =	ssyncset.done $0x0  }
0xd6: {  	[sflag:s23] =	ssyncadd.s32 $0xFFFFC000  }
0xd7: {  	[tilespmem:s22], [sflag:$0x3] =	stream.linear.gather [spmem:s9], $0x4000, $0x38;
	[tilespmem:$0x18680] =	vst v63  }
0xd8: {  	_ =	swait.ge [sflag:s23], $0x4000  }
0xd9: {  	[sflag:s23] =	ssyncset.done $0x0  }
0xda: {  	s31 =	rddreg [dreg:$0x9];
	[sflag:s23] =	ssyncadd.s32 $0xFFFFC000  }
0xdb: {  	[hbm4b:s31+s5] =	stream.linear.scatter [tilespmem:s22], [sflag:$0x3], $0x4000, $0x38;
	[tilespmem:$0x18680] =	vst v63  }
0xdc: {  	_ =	swait.ge [sflag:s23], $0x4000  }
0xdd: {  	[sflag:s23] =	ssyncset.done $0x0  }
0xde: {  	[sflag:s23] =	ssyncadd.s32 $0xFFFFC000  }
0xdf: {  	[tilespmem:s22], [sflag:$0x3] =	stream.linear.gather [spmem:s10], $0x4000, $0x38;
	[tilespmem:$0x18680] =	vst v63  }
0xe0: {  	_ =	swait.ge [sflag:s23], $0x4000  }
0xe1: {  	[sflag:s23] =	ssyncset.done $0x0  }
0xe2: {  	[sflag:s23] =	ssyncadd.s32 $0xFFFFC000  }
0xe3: {  	[hbm4b:s16+s5] =	stream.linear.scatter [tilespmem:s22], [sflag:$0x3], $0x4000, $0x38;
	[tilespmem:$0x18680] =	vst v63  }
0xe4: {  	_ =	swait.ge [sflag:s23], $0x4000  }
0xe5: {  	[sflag:s23] =	ssyncset.done $0x0  }
0xe6: {  	[sflag:s23] =	ssyncadd.s32 $0xFFFFC000  }
0xe7: {  	[tilespmem:s24], [sflag:$0x3] =	stream.linear.gather [spmem:s11], $0x280, $0x38;
	[tilespmem:$0x18680] =	vst v63  }
0xe8: {  	s30 =	sadd.s32 $0x1, s30;
	_ =	swait.ge [sflag:s23], $0x280  }
0xe9: {  	p0 =	sne.s32 s30, s18;
	[sflag:s23] =	ssyncset.done $0x0  }
.Ltmp3:
0xea: {  	[sflag:s23] =	ssyncadd.s32 $0xFFFFFD80;
	(pc) =	sbr.rel @p0 .LBB2_1-.Ltmp3, $4  }
0xeb: {  	[hbm4b:s17+s5] =	stream.linear.scatter [tilespmem:s24], [sflag:$0x3], $0x280, $0x38;
	[tilespmem:$0x18680] =	vst v63  }
0xec: {  	_ =	swait.ge [sflag:s23], $0x280  }
0xed: {  	[sflag:s23] =	ssyncset.done $0x0  }
0xee: {  	[sflag:s23] =	ssyncadd.s32 $0xFFFFFD80  }
0xef: {  	_ =	sfence.sel $0x180000  }
0xf0: {  	[bflag:$0x0] =	sbarrier.arrive $0xFFFF  }
0xf1: {  	_ =	strace $0x90000047  }
0xf2: {  	s0 =	stileid.u32;
	[bflag:$0x2] =	sbarrier.arrive $0xFFFF  }
0xf3: {  	p0 =	sne.s32 s0, $0x0;
	s0 =	rddreg [dreg:$0x5]  }
0xf4: {  	s0 =	sadd.s32 @!p0 $0x100000, s0  }
0xf5: {  	[sflag:s0] =	ssyncadd.tile.s32 @!p0 $0x1;
	_ =	shalt  }
.Lfunc_end2:
_tile_overlayer_lowered:
.L_overlay_start_2:
0xf6: {  	(tag) =	ssettag $0x2  }
0xf7: {  	s0 =	rddreg [dreg:$0x0];
	s2 =	stileid.u32  }
0xf8: {  	s1 =	rddreg [dreg:$0x1];
	p0 =	sne.s32 s2, $0x0  }
0xf9: {  	s3 =	rddreg [dreg:$0x2];
	[bflag:$0x3] =	sbarrier.arrive $0xFFFF;
	s2 =	simm.s32 @!p0 $0x1C03  }
0xfa: {  	[timem:s3], [sflag:s2] =	dma.local @!p0 [hbm:s0], s1  }
0xfb: {  	s0 =	simm.s32 @!p0 $0x3  }
0xfc: {  	_ =	swait.ge @!p0 [sflag:s0], s1  }
0xfd: {  	s1 =	ssub.s32 @!p0 $0x0, s1;
	[sflag:s0] =	ssyncset.done @!p0 $0x0  }
0xfe: {  	[sflag:s0] =	ssyncadd.s32 @!p0 s1  }
0xff: {  	[bflag:$0x3] =	sbarrier.arrive $0xFFFF  }
0x100: {  	_ =	shalt  }

// kernel: kernel.9.cloned.1.call-start
scs
__scs_entry_jumppad:
0x0: {  	(pc) =	sbr.rel $0x88, $3  }
0x1: {  	(tag) =	ssettag $0x0;
	lr =	simm.s32 $0x1  }
0x2: {  	[smem:$0x3F9C] =	sst lr;
	_ =	strace $0xD0000000  }
0x3: {  	_ = 	snop  }
0x4: {  	_ = 	snop  }
0x5: {  	_ = 	snop  }
0x6: {  	_ = 	snop  }
0x7: {  	_ = 	snop  }
__scs_overlays_trampoline_lowered:
0x8: {  	[smem:$0x3FAB] =	sst s0  }
0x9: {  	[smem:$0x3FAC] =	sst s1  }
0xa: {  	[smem:$0x3FAD] =	sst s2  }
0xb: {  	[smem:$0x3FAE] =	sst s3  }
0xc: {  	[smem:$0x3FAF] =	sst s4  }
0xd: {  	[smem:$0x3FB0] =	sst s5  }
0xe: {  	[smem:$0x3FB1] =	sst s6  }
0xf: {  	[smem:$0x3FB2] =	sst s7  }
0x10: {  	[smem:$0x3FB3] =	sst s8  }
0x11: {  	[smem:$0x3FB4] =	sst s9;
	s0 =	simm.s32 @!p0 $0x0  }
0x12: {  	s1 =	sld [smem:$0x3F9A];
	s0 =	simm.s32 @p0 $0x1  }
0x13: {  	[smem:$0x3FB5] =	sst s0;
	s0 =	simm.s32 @!p1 $0x0  }
0x14: {  	s2 =	sld [smem:$0x3F99];
	s0 =	simm.s32 @p1 $0x1  }
0x15: {  	[smem:$0x3FB6] =	sst s0;
	s0 =	simm.s32 @!p2 $0x0  }
0x16: {  	s3 =	sld [smem:$0x3FDB];
	s0 =	simm.s32 @p2 $0x1  }
0x17: {  	s4 =	simm.s32 $0x1BF5;
	[smem:$0x3FB8] =	sst s0  }
0x18: {  	s0 =	sld [smem:$0x3F9B];
	_ =	swait.ge [sflag:s4], $0x0  }
0x19: {  	s7 =	sld [smem:$0x3F9C]  }
0x1a: {  	s8 =	sadd.s32 $0xFFFFE003, lr  }
0x1b: {  	s9 =	sadd.s32 $0xFFFFFEF7, lr;
	s5 =	simm.s32 $0xFFFFFFFF;
	p2 =	slt.u32 s8, $0xFFFFF086  }
0x1c: {  	p1 =	slt.u32 s9, $0xF7A;
	s5 =	simm.s32 @!p2 $0x0  }
0x1d: {  	s5 =	simm.s32 @p1 $0x1;
	p0 =	seq.s32 s7, s2  }
0x1e: {  	s7 =	smul.u32 @!p0 $0xF7A, s2;
	p2 =	seq.s32 @!p0 s5, $0x0  }
0x1f: {  	s9 =	smul.u32 $0xF7A, s1;
	s8 =	simm.s32 @!p0 $0x1BF5;
	p2 =	por !p2, p0  }
0x20: {  	[sflag:s8] =	ssyncset.s32 @!p0 $0xFFFFF086;
	s6 =	sadd.s32 @!p0 s3, s7;
	s7 =	simm.s32 @!p0 $0x108  }
0x21: {  	s3 =	sadd.s32 s3, s9;
	s6 =	sadd.s32 @!p0 $0x88, s6;
	s7 =	simm.s32 @p2 $0x1082  }
0x22: {  	[simem:s7], [sflag:s8] =	dma.local @!p0 [hbm:s6], $0xF7A  }
0x23: {  	s9 =	sor.u32 $0xD0000000, s2;
	s6 =	simm.s32 $0x108;
	_ =	swait.ge @!p0 [sflag:s8], $0x0  }
0x24: {  	s3 =	sadd.s32 $0x88, s3;
	s6 =	simm.s32 @!p1 $0x1082;
	[sflag:s4] =	ssyncset.s32 $0xFFFFF086  }
0x25: {  	[simem:s6], [sflag:s4] =	dma.local [hbm:s3], $0xF7A  }
0x26: {  	[smem:$0x3F9C] =	sst s1;
	(tag) =	ssettag s2;
	_ =	strace s9  }
0x27: {  	s1 =	sld [smem:$0x3FAC]  }
0x28: {  	s2 =	sld [smem:$0x3FAD]  }
0x29: {  	s4 =	sld [smem:$0x3FAF]  }
0x2a: {  	p0 =	seq.s32 s5, $0x0;
	s5 =	sld [smem:$0x3FB0]  }
0x2b: {  	s6 =	sld [smem:$0x3FB1]  }
0x2c: {  	s7 =	sld [smem:$0x3FB2]  }
0x2d: {  	s3 =	simm.s32 $0x108;
	s8 =	sld [smem:$0x3FB3]  }
0x2e: {  	s3 =	simm.s32 @!p0 $0x1082;
	s9 =	sld [smem:$0x3FB4]  }
0x2f: {  	lr =	sadd.s32 s0, s3;
	s0 =	sld [smem:$0x3FAB]  }
0x30: {  	s3 =	sld [smem:$0x3FAE]  }
0x31: {  	[smem:$0x3FB7] =	sst s10  }
0x32: {  	s10 =	sld [smem:$0x3FB5];
	_ =	sdelay $0x3  }
0x33: {  	p0 =	seq.s32 s10, $0x1;
	s10 =	sld [smem:$0x3FB7];
	_ =	sdelay $0x3  }
0x34: {  	[smem:$0x3FB7] =	sst s10  }
0x35: {  	s10 =	sld [smem:$0x3FB6];
	_ =	sdelay $0x3  }
0x36: {  	p1 =	seq.s32 s10, $0x1;
	s10 =	sld [smem:$0x3FB7];
	_ =	sdelay $0x3  }
0x37: {  	[smem:$0x3FB7] =	sst s10  }
0x38: {  	s10 =	sld [smem:$0x3FB8]  }
0x39: {  	_ = 	snop;
	(pc) =	sbr.ind lr, $3  }
0x3a: {  	_ = 	snop  }
0x3b: {  	_ = 	snop  }
0x3c: {  	p2 =	seq.s32 s10, $0x1;
	s10 =	sld [smem:$0x3FB7]  }
0x3d: {  	_ =	shalt  }
0x3e: {  	_ =	shalt  }
0x3f: {  	_ =	shalt  }
0x40: {  	_ =	shalt  }
0x41: {  	_ =	shalt  }
0x42: {  	_ =	shalt  }
0x43: {  	_ =	shalt  }
0x44: {  	_ =	shalt  }
0x45: {  	_ =	shalt  }
0x46: {  	_ =	shalt  }
0x47: {  	_ =	shalt  }
0x48: {  	_ =	shalt  }
0x49: {  	_ =	shalt  }
0x4a: {  	_ =	shalt  }
0x4b: {  	_ =	shalt  }
0x4c: {  	_ =	shalt  }
0x4d: {  	_ =	shalt  }
0x4e: {  	_ =	shalt  }
0x4f: {  	_ =	shalt  }
0x50: {  	_ =	shalt  }
0x51: {  	_ =	shalt  }
0x52: {  	_ =	shalt  }
0x53: {  	_ =	shalt  }
0x54: {  	_ =	shalt  }
0x55: {  	_ =	shalt  }
0x56: {  	_ =	shalt  }
0x57: {  	_ =	shalt  }
0x58: {  	_ =	shalt  }
0x59: {  	_ =	shalt  }
0x5a: {  	_ =	shalt  }
0x5b: {  	_ =	shalt  }
0x5c: {  	_ =	shalt  }
0x5d: {  	_ =	shalt  }
0x5e: {  	_ =	shalt  }
0x5f: {  	_ =	shalt  }
0x60: {  	_ =	shalt  }
0x61: {  	_ =	shalt  }
0x62: {  	_ =	shalt  }
0x63: {  	_ =	shalt  }
0x64: {  	_ =	shalt  }
0x65: {  	_ =	shalt  }
0x66: {  	_ =	shalt  }
0x67: {  	_ =	shalt  }
0x68: {  	_ =	shalt  }
0x69: {  	_ =	shalt  }
0x6a: {  	_ =	shalt  }
0x6b: {  	_ =	shalt  }
0x6c: {  	_ =	shalt  }
0x6d: {  	_ =	shalt  }
0x6e: {  	_ =	shalt  }
0x6f: {  	_ =	shalt  }
0x70: {  	_ =	shalt  }
0x71: {  	_ =	shalt  }
0x72: {  	_ =	shalt  }
0x73: {  	_ =	shalt  }
0x74: {  	_ =	shalt  }
0x75: {  	_ =	shalt  }
0x76: {  	_ =	shalt  }
0x77: {  	_ =	shalt  }
0x78: {  	_ =	shalt  }
0x79: {  	_ =	shalt  }
0x7a: {  	_ =	shalt  }
0x7b: {  	_ =	shalt  }
0x7c: {  	_ =	shalt  }
0x7d: {  	_ =	shalt  }
0x7e: {  	_ =	shalt  }
0x7f: {  	_ =	shalt  }
0x80: {  	_ =	shalt  }
0x81: {  	_ =	shalt  }
0x82: {  	_ =	shalt  }
0x83: {  	_ =	shalt  }
0x84: {  	_ =	shalt  }
0x85: {  	_ =	shalt  }
0x86: {  	_ =	shalt  }
0x87: {  	_ =	shalt  }
.Lfunc_end0:
.L_simem_size_0:
called_computation.1_lowered:
.L_overlay_start_0:
0x88: {  	s2 =	sld [smem:$0x3FD9]  }
0x89: {  	s3 =	sld [smem:$0x3FFE];
	_ =	sdelay $0x1  }
0x8a: {  	s1 =	srdreg.scid  }
0x8b: {  	s0 =	sand.u32 $0x1, s1  }
0x8c: {  	s17 =	sshll.u32 s0, $0xA;
	s2 =	sadd.s32 s3, s2  }
0x8d: {  	s2 =	sadd.s32 s2, s17  }
0x8e: {  	[smem:$0x3FC3] =	sst s2  }
0x8f: {  	_ = 	snop  }
0x90: {  	s2 =	sld [smem:$0x3FD0];
	(tm) =	ssettm $0x1  }
0x91: {  	s18 =	sld [smem:$0x3FFB];
	_ =	sdelay $0x3  }
0x92: {  	_ =	strace s18  }
0x93: {  	s3 =	sld [smem:$0x3FFC];
	_ =	sdelay $0x3  }
0x94: {  	_ =	strace s3  }
0x95: {  	s3 =	sld [smem:$0x3FFD];
	_ =	sdelay $0x3  }
0x96: {  	_ =	strace s3  }
0x97: {  	_ =	strace $0x8FFFFFFF  }
0x98: {  	s19 =	sld [smem:$0x3FDB];
	_ =	sdelay $0x1  }
0x99: {  	s4 =	simm.s32 $_scs_section_size  }
0x9a: {  	s5 =	simm.s32 $_size__tile_overlayer_lowered;
	s6 =	simm.s32 $_tile_overlayer_lowered  }
0x9b: {  	s22 =	simm.s32 $0x1BFF;
	s21 =	sshll.u32 s6, $0x1;
	s3 =	sadd.s32 s4, s19  }
0x9c: {  	s7 =	simm.s32 $0x0;
	s20 =	sshll.u32 s5, $0x1;
	s5 =	sadd.s32 s21, s3  }
0x9d: {  	[timem:s7], [sflag:s22] =	dma.local [hbm:s5], s20  }
0x9e: {  	_ =	swait.ge [sflag:s22], s20  }
0x9f: {  	s4 =	ssub.s32 $0x0, s20;
	[sflag:s22] =	ssyncset.done $0x0  }
0xa0: {  	[sflag:s22] =	ssyncadd.s32 s4;
	_ =	sdelay $0x1  }
0xa1: {  	s23 =	simm.s32 $0x1B8B  }
0xa2: {  	_ =	swait.ge [sflag:s23], $0x1  }
0xa3: {  	[sflag:s23] =	ssyncset.done $0x0  }
0xa4: {  	s25 =	simm.s32 $0x1B8E;
	s24 =	sld [smem:$0x3FFE];
	[sflag:s23] =	ssyncadd.s32 $0xFFFFFFFF  }
0xa5: {  	s26 =	simm.s32 $execute0_lowered;
	[smem:$0x3FD2] =	sst s25  }
0xa6: {  	s5 =	sshll.u32 s26, $0x1;
	_ =	strace $0x80000049;
	[dreg:$0x1] =	wrdreg $0xFFFFFFFF  }
0xa7: {  	s28 =	simm.s32 $_size_execute0_lowered;
	s3 =	sadd.s32 s3, s5;
	[dreg:$0x0] =	wrdreg $0x0  }
0xa8: {  	s5 =	sshll.u32 s28, $0x1;
	[dreg:$0x2] =	wrdreg s3  }
0xa9: {  	[dreg:$0x3] =	wrdreg s5  }
0xaa: {  	[dreg:$0x4] =	wrdreg $0xC0  }
0xab: {  	_ =	task [dreg:s7], $0x5FFFF  }
0xac: {  	[dreg:$0x1] =	wrdreg $0xFFFFFFFF  }
0xad: {  	[dreg:$0x0] =	wrdreg $0x60  }
0xae: {  	[dreg:$0x2] =	wrdreg s2  }
0xaf: {  	[dreg:$0x3] =	wrdreg s24  }
0xb0: {  	[dreg:$0x4] =	wrdreg $0x81800  }
0xb1: {  	[dreg:$0x5] =	wrdreg $0x9  }
0xb2: {  	_ =	task.clear_ibuf [dreg:s7], $0x6FFFF;
	_ =	strace $0x90000049  }
0xb3: {  	s29 =	simm.s32 $0x9;
	_ =	strace $0x8000004B  }
0xb4: {  	_ =	swait.ge [sflag:s29], $0x1  }
0xb5: {  	[sflag:s29] =	ssyncadd.s32 $0xFFFFFFFF  }
0xb6: {  	_ =	strace $0x9000004B  }
0xb7: {  	_ =	sfence  }
0xb8: {  	s30 =	sld [smem:$0x0];
	_ =	sdelay $0x2  }
0xb9: {  	s31 =	sshll.u32 s1, $0xD;
	s1 =	sshrl.u32 s1, $0x2  }
0xba: {  	s3 =	sand.u32 $0x4000, s31;
	s1 =	sadd.s32 s1, s30  }
0xbb: {  	s0 =	sor.u32 s3, s0;
	s1 =	sshll.u32 s1, $0x11  }
0xbc: {  	s0 =	sor.u32 s1, s0  }
0xbd: {  	s0 =	sadd.s32 $0x8F2B, s0  }
0xbe: {  	[sflag:s0] =	ssyncadd.remote.s32 $0x1  }
0xbf: {  	_ =	sfence.sel $0xFFFF  }
0xc0: {  	[dreg:$0x0] =	wrdreg $0xFFFFFFFF;
	(pc) =	sbr.abs _section_cstart, $3  }
0xc1: {  	[dreg:$0x1] =	wrdreg $0xFFFFFFFF  }
0xc2: {  	_ =	task.clear_ibuf [dreg:s7], $0x2FFFF;
	_ =	strace $0x9FFFFFFF  }
0xc3: {  	(tm) =	ssettm $0x7FFFFFFF  }
tec
execute0_lowered:
.L_overlay_start_1:
0x0: {  	(tag) =	ssettag $0x1  }
0x1: {  	s1 =	rddreg [dreg:$0x0]  }
0x2: {  	s0 =	rddreg [dreg:$0x1]  }
0x3: {  	s3 =	rddreg [dreg:$0x2]  }
0x4: {  	s5 =	srdreg.scid;
	s2 =	stileid.u32  }
0x5: {  	s4 =	simm.s32 $0x0;
	s20 =	simm.s32 $0x180;
	s21 =	simm.s32 $0x3  }
0x6: {  	s22 =	simm.s32 $0x80;
	s23 =	simm.s32 $0x100;
	s24 =	simm.s32 $0x1  }
0x7: {  	s25 =	simm.s32 $0x2;
	s26 =	simm.s32 $0x4180;
	s28 =	simm.s32 $0x0  }
0x8: {  	s9 =	sand.u32 $0x1, s5;
	s6 =	smul.u32 $0x280, s2;
	[smem:$0x7FF] =	sst s4  }
0x9: {  	s5 =	sadd.s32 $0x15600, s0;
	s10 =	smul.u32 $0x50000, s2;
	s12 =	sshll.u32 s2, $0x1  }
0xa: {  	s7 =	smul.u32 $0x2800, s9;
	_ =	strace $0x8000004A;
	s11 =	ssub.s32 $0x2, s9  }
0xb: {  	s13 =	sor.u32 s9, s12;
	s30 =	sshrl.u32 s10, $0x2;
	s31 =	sshrl.u32 s11, $0x1  }
0xc: {  	s13 =	smul.u32 $0x4F, s13;
	s8 =	sadd.s32 s6, s7;
	s6 =	sadd.s32 $0x1F400, s0  }
0xd: {  	s7 =	sadd.s32 $0xB800, s0;
	s19 =	ssub.s32 s11, s31;
	s8 =	sshll.u32 s8, $0x4  }
0xe: {  	s19 =	smax.u32 s19, $0x1;
	s0 =	sadd.s32 s8, s0;
	s8 =	sadd.s32 s30, s3  }
0xf: {  	s9 =	sadd.s32 $0x4000, s8;
	s10 =	sadd.s32 $0x8000, s8;
	s11 =	sadd.s32 $0xC000, s8  }
0x10: {  	s12 =	sadd.s32 $0x10000, s8;
	s14 =	sadd.s32 $0x29200, s0;
	s15 =	sadd.s32 $0x29A00, s0  }
0x11: {  	v0 =	vimm.f32 $0.0e+00;
	s16 =	sadd.s32 $0x2A200, s0;
	s17 =	sadd.s32 $0x2AA00, s0;
	s18 =	sadd.s32 $0x2B200, s0  }
.LBB2_1:
0x12: {  	s0 =	simm.s32 $0x0;
	s29 =	simm.s32 $0x200  }
.LBB2_2:
0x13: {  	p0 =	sne.s32 s29, $0xFE00;
	[tilespmem:s0+$0x1F0] =	vst v0  }
0x14: {  	[tilespmem:s0+$0x180] =	vst v0  }
0x15: {  	[tilespmem:s0+$0x190] =	vst v0  }
.Ltmp0:
0x16: {  	[tilespmem:s0+$0x1A0] =	vst v0;
	(pc) =	sbr.rel @p0 .LBB2_2-.Ltmp0, $4  }
0x17: {  	[tilespmem:s0+$0x1B0] =	vst v0  }
0x18: {  	[tilespmem:s0+$0x1C0] =	vst v0  }
0x19: {  	[tilespmem:s0+$0x1D0] =	vst v0  }
0x1a: {  	[tilespmem:s0+$0x1E0] =	vst v0;
	s0 =	sshra.s32 s29, $0x2;
	s29 =	sadd.s32 $0x200, s29  }
0x1b: {  	[tilespmem:s0+$0x1F0] =	vst v0  }
0x1c: {  	[tilespmem:s0+$0x180] =	vst v0  }
0x1d: {  	[tilespmem:s0+$0x190] =	vst v0  }
0x1e: {  	[tilespmem:s0+$0x1A0] =	vst v0  }
0x1f: {  	[tilespmem:s0+$0x1B0] =	vst v0  }
0x20: {  	[tilespmem:s0+$0x1C0] =	vst v0  }
0x21: {  	[tilespmem:s0+$0x1D0] =	vst v0  }
0x22: {  	[tilespmem:s0+$0x1E0] =	vst v0  }
0x23: {  	[spmem:s8] =	stream.linear.scatter [tilespmem:s20], [sflag:$0x3], $0x4000, $0x38;
	[tilespmem:$0x1C180] =	vst v63  }
0x24: {  	_ =	swait.ge [sflag:s21], $0x4000  }
0x25: {  	[sflag:s21] =	ssyncset.done $0x0  }
0x26: {  	[sflag:s21] =	ssyncadd.s32 $0xFFFFC000  }
0x27: {  	[spmem:s9] =	stream.linear.scatter [tilespmem:s20], [sflag:$0x3], $0x4000, $0x38;
	[tilespmem:$0x1C180] =	vst v63  }
0x28: {  	_ =	swait.ge [sflag:s21], $0x4000  }
0x29: {  	[sflag:s21] =	ssyncset.done $0x0  }
0x2a: {  	[sflag:s21] =	ssyncadd.s32 $0xFFFFC000  }
0x2b: {  	[spmem:s10] =	stream.linear.scatter [tilespmem:s20], [sflag:$0x3], $0x4000, $0x38;
	[tilespmem:$0x1C180] =	vst v63  }
0x2c: {  	_ =	swait.ge [sflag:s21], $0x4000  }
0x2d: {  	[sflag:s21] =	ssyncset.done $0x0  }
0x2e: {  	[sflag:s21] =	ssyncadd.s32 $0xFFFFC000  }
0x2f: {  	[spmem:s11] =	stream.linear.scatter [tilespmem:s20], [sflag:$0x3], $0x4000, $0x38;
	[tilespmem:$0x1C180] =	vst v63  }
0x30: {  	_ =	swait.ge [sflag:s21], $0x4000  }
0x31: {  	[sflag:s21] =	ssyncset.done $0x0  }
0x32: {  	[sflag:s21] =	ssyncadd.s32 $0xFFFFC000  }
0x33: {  	[spmem:s12] =	stream.linear.scatter [tilespmem:s20], [sflag:$0x3], $0x4000, $0x38;
	[tilespmem:$0x1C180] =	vst v63  }
0x34: {  	_ =	swait.ge [sflag:s21], $0x4000  }
0x35: {  	[sflag:s21] =	ssyncset.done $0x0  }
0x36: {  	[sflag:s21] =	ssyncadd.s32 $0xFFFFC000  }
0x37: {  	s29 =	simm.s32 $0x0;
	s30 =	simm.s32 $0x0;
	[bflag:$0x0] =	sbarrier.arrive $0xFFFF  }
.LBB2_4:
0x38: {  	s0 =	sadd.s32 s13, s30  }
0x39: {  	s0 =	sshll.u32 s0, $0x4  }
0x3a: {  	s31 =	sadd.s32 s5, s0  }
0x3b: {  	[tilespmem:s29], [sflag:$0x1] =	stream.linear.gather [hbm4b:s31+s29], $0x80, $0x38;
	[tilespmem:$0x1C180] =	vst v63  }
0x3c: {  	s31 =	sadd.s32 s6, s0  }
0x3d: {  	[tilespmem:s22], [sflag:$0x2] =	stream.linear.gather [hbm4b:s31+s29], $0x80, $0x38;
	[tilespmem:$0x1C180] =	vst v63  }
0x3e: {  	s0 =	sadd.s32 s7, s0  }
0x3f: {  	[tilespmem:s23], [sflag:$0x1] =	stream.linear.gather [hbm4b:s0+s29], $0x80, $0x38;
	[tilespmem:$0x1C180] =	vst v63  }
0x40: {  	_ =	swait.ge [sflag:s24], $0x80  }
0x41: {  	[sflag:s24] =	ssyncset.done $0x0  }
0x42: {  	[sflag:s24] =	ssyncadd.s32 $0xFFFFFF80  }
0x43: {  	_ =	swait.ge [sflag:s25], $0x80  }
0x44: {  	[sflag:s25] =	ssyncset.done $0x0  }
0x45: {  	[sflag:s25] =	ssyncadd.s32 $0xFFFFFF80  }
0x46: {  	_ =	swait.ge [sflag:s24], $0x80  }
0x47: {  	[sflag:s24] =	ssyncset.done $0x0  }
0x48: {  	[sflag:s24] =	ssyncadd.s32 $0xFFFFFF80  }
0x49: {  	[tilespmem:s20], [sflag:$0x1] =	stream.indirect.gather [hbm4b:s1+s22], $0x80, s29, s22, $0xb8;
	[tilespmem:$0x1C180] =	vst v63  }
0x4a: {  	_ = 	snop  }
0x4b: {  	[tilespmem:s26], [sflag:$0x2] =	stream.indirect.gather [hbm4b:s1+s22], $0x80, s22, s22, $0xb8;
	[tilespmem:$0x1C180] =	vst v63  }
0x4c: {  	_ =	swait.ge [sflag:s24], $0x4000  }
0x4d: {  	[sflag:s24] =	ssyncset.done $0x0  }
0x4e: {  	[sflag:s24] =	ssyncadd.s32 $0xFFFFC000  }
0x4f: {  	_ =	swait.ge [sflag:s25], $0x4000  }
0x50: {  	[sflag:s25] =	ssyncset.done $0x0  }
0x51: {  	s31 =	simm.s32 $0x0;
	[sflag:s25] =	ssyncadd.s32 $0xFFFFC000  }
0x52: {  	v7 =	vld [tilespmem:s31+$0x4180]  }
0x53: {  	v12 =	vld [tilespmem:s31+$0x4190]  }
0x54: {  	v6 =	vld [tilespmem:s31+$0x41A0]  }
0x55: {  	v5 =	vld [tilespmem:s31+$0x41B0]  }
0x56: {  	v4 =	vld [tilespmem:s31+$0x41C0]  }
0x57: {  	v3 =	vld [tilespmem:s31+$0x41D0]  }
0x58: {  	v2 =	vld [tilespmem:s31+$0x41E0]  }
0x59: {  	v1 =	vld [tilespmem:s31+$0x41F0]  }
0x5a: {  	v13 =	vld [tilespmem:s31+$0x180]  }
0x5b: {  	v14 =	vld [tilespmem:s31+$0x190]  }
0x5c: {  	v11 =	vld [tilespmem:s31+$0x1A0]  }
0x5d: {  	v10 =	vld [tilespmem:s31+$0x1B0]  }
0x5e: {  	v9 =	vld [tilespmem:s31+$0x1C0]  }
0x5f: {  	v8 =	vld [tilespmem:s31+$0x1D0];
	v13 =	vsub.f32 v13, v7  }
0x60: {  	s0 =	simm.s32 $0x200;
	v12 =	vsub.f32 v14, v12;
	v7 =	vld [tilespmem:s31+$0x1E0]  }
.LBB2_5:
0x61: {  	s2 =	sshra.s32 s0, $0x2;
	p0 =	sne.s32 s0, $0xFE00;
	v13 =	vmul.f32 v13, v13;
	v6 =	vsub.f32 v11, v6;
	v11 =	vld [tilespmem:s31+$0x1F0]  }
0x62: {  	v14 =	vld [tilespmem:s2+$0x4180];
	v12 =	vmul.f32 v12, v12;
	v5 =	vsub.f32 v10, v5  }
0x63: {  	v15 =	vld [tilespmem:s2+$0x4190];
	[tilespmem:s31+$0x180] =	vst v13;
	v10 =	vmul.f32 v6, v6;
	v4 =	vsub.f32 v9, v4  }
0x64: {  	v6 =	vld [tilespmem:s2+$0x41A0];
	[tilespmem:s31+$0x190] =	vst v12;
	v9 =	vmul.f32 v5, v5;
	v3 =	vsub.f32 v8, v3  }
0x65: {  	v5 =	vld [tilespmem:s2+$0x41B0];
	[tilespmem:s31+$0x1A0] =	vst v10;
	v8 =	vmul.f32 v4, v4;
	v2 =	vsub.f32 v7, v2  }
0x66: {  	v4 =	vld [tilespmem:s2+$0x41C0];
	[tilespmem:s31+$0x1B0] =	vst v9;
	v7 =	vmul.f32 v3, v3;
	v1 =	vsub.f32 v11, v1  }
0x67: {  	v3 =	vld [tilespmem:s2+$0x41D0];
	[tilespmem:s31+$0x1C0] =	vst v8;
	v8 =	vmul.f32 v2, v2  }
0x68: {  	v2 =	vld [tilespmem:s2+$0x41E0];
	[tilespmem:s31+$0x1D0] =	vst v7;
	v7 =	vmul.f32 v1, v1  }
0x69: {  	v1 =	vld [tilespmem:s2+$0x41F0];
	[tilespmem:s31+$0x1E0] =	vst v8  }
0x6a: {  	v8 =	vld [tilespmem:s2+$0x180];
	[tilespmem:s31+$0x1F0] =	vst v7;
	s31 =	smov.u32 s2  }
0x6b: {  	v7 =	vld [tilespmem:s31+$0x190]  }
.Ltmp1:
0x6c: {  	v11 =	vld [tilespmem:s31+$0x1A0];
	(pc) =	sbr.rel @p0 .LBB2_5-.Ltmp1, $4  }
0x6d: {  	v10 =	vld [tilespmem:s31+$0x1B0]  }
0x6e: {  	v9 =	vld [tilespmem:s31+$0x1C0]  }
0x6f: {  	v13 =	vsub.f32 v8, v14;
	v8 =	vld [tilespmem:s31+$0x1D0]  }
0x70: {  	s0 =	sadd.s32 $0x200, s0;
	v12 =	vsub.f32 v7, v15;
	v7 =	vld [tilespmem:s31+$0x1E0]  }
0x71: {  	v13 =	vmul.f32 v13, v13;
	v6 =	vsub.f32 v11, v6;
	v63 =	vld [tilespmem:s31+$0x1F0]  }
0x72: {  	v12 =	vmul.f32 v12, v12;
	v5 =	vsub.f32 v10, v5  }
0x73: {  	[tilespmem:s31+$0x180] =	vst v13;
	v6 =	vmul.f32 v6, v6;
	v4 =	vsub.f32 v9, v4  }
0x74: {  	[tilespmem:s31+$0x190] =	vst v12;
	v5 =	vmul.f32 v5, v5;
	v3 =	vsub.f32 v8, v3  }
0x75: {  	[tilespmem:s31+$0x1A0] =	vst v6;
	v4 =	vmul.f32 v4, v4;
	v2 =	vsub.f32 v7, v2  }
0x76: {  	[tilespmem:s31+$0x1B0] =	vst v5;
	v3 =	vmul.f32 v3, v3;
	v1 =	vsub.f32 v63, v1  }
0x77: {  	[tilespmem:s31+$0x1C0] =	vst v4;
	v2 =	vmul.f32 v2, v2  }
0x78: {  	s30 =	sadd.s32 $0x1, s30;
	[tilespmem:s31+$0x1D0] =	vst v3;
	v1 =	vmul.f32 v1, v1  }
0x79: {  	p0 =	sne.s32 s30, $0x4F;
	[tilespmem:s31+$0x1E0] =	vst v2  }
.Ltmp2:
0x7a: {  	[tilespmem:s31+$0x1F0] =	vst v1;
	(pc) =	sbr.rel @p0 .LBB2_4-.Ltmp2, $4  }
0x7b: {  	[spmem:s3] =	stream.indirect.scatter.add.f32 [tilespmem:s20], [sflag:$0x3], $0x80, s23, s22, $0xb8;
	[tilespmem:$0x1C180] =	vst v63  }
0x7c: {  	_ =	swait.ge [sflag:s21], $0x4000  }
0x7d: {  	[sflag:s21] =	ssyncset.done $0x0  }
0x7e: {  	[sflag:s21] =	ssyncadd.s32 $0xFFFFC000  }
0x7f: {  	[bflag:$0x0] =	sbarrier.arrive $0xFFFF  }
0x80: {  	[tilespmem:s20], [sflag:$0x3] =	stream.linear.gather [spmem:s8], $0x4000, $0x38;
	[tilespmem:$0x1C180] =	vst v63  }
0x81: {  	_ =	swait.ge [sflag:s21], $0x4000  }
0x82: {  	[sflag:s21] =	ssyncset.done $0x0  }
0x83: {  	[sflag:s21] =	ssyncadd.s32 $0xFFFFC000  }
0x84: {  	[hbm4b:s14+s4] =	stream.linear.scatter [tilespmem:s20], [sflag:$0x3], $0x4000, $0x38;
	[tilespmem:$0x1C180] =	vst v63  }
0x85: {  	_ =	swait.ge [sflag:s21], $0x4000  }
0x86: {  	[sflag:s21] =	ssyncset.done $0x0  }
0x87: {  	[sflag:s21] =	ssyncadd.s32 $0xFFFFC000  }
0x88: {  	[tilespmem:s20], [sflag:$0x3] =	stream.linear.gather [spmem:s9], $0x4000, $0x38;
	[tilespmem:$0x1C180] =	vst v63  }
0x89: {  	_ =	swait.ge [sflag:s21], $0x4000  }
0x8a: {  	[sflag:s21] =	ssyncset.done $0x0  }
0x8b: {  	[sflag:s21] =	ssyncadd.s32 $0xFFFFC000  }
0x8c: {  	[hbm4b:s15+s4] =	stream.linear.scatter [tilespmem:s20], [sflag:$0x3], $0x4000, $0x38;
	[tilespmem:$0x1C180] =	vst v63  }
0x8d: {  	_ =	swait.ge [sflag:s21], $0x4000  }
0x8e: {  	[sflag:s21] =	ssyncset.done $0x0  }
0x8f: {  	[sflag:s21] =	ssyncadd.s32 $0xFFFFC000  }
0x90: {  	[tilespmem:s20], [sflag:$0x3] =	stream.linear.gather [spmem:s10], $0x4000, $0x38;
	[tilespmem:$0x1C180] =	vst v63  }
0x91: {  	_ =	swait.ge [sflag:s21], $0x4000  }
0x92: {  	[sflag:s21] =	ssyncset.done $0x0  }
0x93: {  	[sflag:s21] =	ssyncadd.s32 $0xFFFFC000  }
0x94: {  	[hbm4b:s16+s4] =	stream.linear.scatter [tilespmem:s20], [sflag:$0x3], $0x4000, $0x38;
	[tilespmem:$0x1C180] =	vst v63  }
0x95: {  	_ =	swait.ge [sflag:s21], $0x4000  }
0x96: {  	[sflag:s21] =	ssyncset.done $0x0  }
0x97: {  	[sflag:s21] =	ssyncadd.s32 $0xFFFFC000  }
0x98: {  	[tilespmem:s20], [sflag:$0x3] =	stream.linear.gather [spmem:s11], $0x4000, $0x38;
	[tilespmem:$0x1C180] =	vst v63  }
0x99: {  	_ =	swait.ge [sflag:s21], $0x4000  }
0x9a: {  	[sflag:s21] =	ssyncset.done $0x0  }
0x9b: {  	[sflag:s21] =	ssyncadd.s32 $0xFFFFC000  }
0x9c: {  	[hbm4b:s17+s4] =	stream.linear.scatter [tilespmem:s20], [sflag:$0x3], $0x4000, $0x38;
	[tilespmem:$0x1C180] =	vst v63  }
0x9d: {  	_ =	swait.ge [sflag:s21], $0x4000  }
0x9e: {  	[sflag:s21] =	ssyncset.done $0x0  }
0x9f: {  	[sflag:s21] =	ssyncadd.s32 $0xFFFFC000  }
0xa0: {  	[tilespmem:s20], [sflag:$0x3] =	stream.linear.gather [spmem:s12], $0x4000, $0x38;
	[tilespmem:$0x1C180] =	vst v63  }
0xa1: {  	s28 =	sadd.s32 $0x1, s28;
	_ =	swait.ge [sflag:s21], $0x4000  }
0xa2: {  	p0 =	sne.s32 s28, s19;
	[sflag:s21] =	ssyncset.done $0x0  }
.Ltmp3:
0xa3: {  	[sflag:s21] =	ssyncadd.s32 $0xFFFFC000;
	(pc) =	sbr.rel @p0 .LBB2_1-.Ltmp3, $4  }
0xa4: {  	[hbm4b:s18+s4] =	stream.linear.scatter [tilespmem:s20], [sflag:$0x3], $0x4000, $0x38;
	[tilespmem:$0x1C180] =	vst v63  }
0xa5: {  	_ =	swait.ge [sflag:s21], $0x4000  }
0xa6: {  	[sflag:s21] =	ssyncset.done $0x0  }
0xa7: {  	[sflag:s21] =	ssyncadd.s32 $0xFFFFC000  }
0xa8: {  	_ =	sfence.sel $0x180000  }
0xa9: {  	[bflag:$0x0] =	sbarrier.arrive $0xFFFF  }
0xaa: {  	_ =	strace $0x9000004A  }
0xab: {  	s0 =	stileid.u32;
	[bflag:$0x2] =	sbarrier.arrive $0xFFFF  }
0xac: {  	p0 =	sne.s32 s0, $0x0;
	s0 =	rddreg [dreg:$0x3]  }
0xad: {  	s0 =	sadd.s32 @!p0 $0x100000, s0  }
0xae: {  	[sflag:s0] =	ssyncadd.tile.s32 @!p0 $0x1;
	_ =	shalt  }
.Lfunc_end2:
_tile_overlayer_lowered:
.L_overlay_start_2:
0xaf: {  	(tag) =	ssettag $0x2  }
0xb0: {  	s0 =	rddreg [dreg:$0x0];
	s2 =	stileid.u32  }
0xb1: {  	s1 =	rddreg [dreg:$0x1];
	p0 =	sne.s32 s2, $0x0  }
0xb2: {  	s3 =	rddreg [dreg:$0x2];
	[bflag:$0x3] =	sbarrier.arrive $0xFFFF;
	s2 =	simm.s32 @!p0 $0x1C03  }
0xb3: {  	[timem:s3], [sflag:s2] =	dma.local @!p0 [hbm:s0], s1  }
0xb4: {  	s0 =	simm.s32 @!p0 $0x3  }
0xb5: {  	_ =	swait.ge @!p0 [sflag:s0], s1  }
0xb6: {  	s1 =	ssub.s32 @!p0 $0x0, s1;
	[sflag:s0] =	ssyncset.done @!p0 $0x0  }
0xb7: {  	[sflag:s0] =	ssyncadd.s32 @!p0 s1  }
0xb8: {  	[bflag:$0x3] =	sbarrier.arrive $0xFFFF  }
0xb9: {  	_ =	shalt  }

</sc_bundles>
